<compile_context>
chip_gen: v7x
topology: tpu7x:2x2x1
jax: 0.10.2.dev20260603
libtpu: 0.0.44.dev20260713+nightly
codegen_flags: <defaults>
</compile_context>

<pallas_src>
import functools

import numpy as np
import jax
import jax.numpy as jnp
from jax import lax
from jax.experimental import pallas as pl
from jax.experimental.pallas import tpu as pltpu
from jax.experimental.pallas import tpu_sc as plsc

N_NODES_C = 50000
N_EL_C = 200000

_GP = 1.0 / np.sqrt(3.0)
_S = np.array(
    [[-1, -1, -1], [1, -1, -1], [1, 1, -1], [-1, 1, -1],
     [-1, -1, 1], [1, -1, 1], [1, 1, 1], [-1, 1, 1]], np.float64)
_XI = _S * _GP


def _build_lin_map():
    A = np.zeros((80, 64), np.float64)
    for q in range(8):
        xi = _XI[q]
        N = 0.125 * (1 + _S[:, 0] * xi[0]) * (1 + _S[:, 1] * xi[1]) * (1 + _S[:, 2] * xi[2])
        g0 = 0.125 * _S[:, 0] * (1 + _S[:, 1] * xi[1]) * (1 + _S[:, 2] * xi[2])
        g1 = 0.125 * (1 + _S[:, 0] * xi[0]) * _S[:, 1] * (1 + _S[:, 2] * xi[2])
        g2 = 0.125 * (1 + _S[:, 0] * xi[0]) * (1 + _S[:, 1] * xi[1]) * _S[:, 2]
        dN = np.stack([g0, g1, g2], axis=1)
        for k in range(9):
            i, j = divmod(k, 3)
            for a in range(8):
                A[k * 8 + q, 8 * a + j] = dN[a, i]
        for a in range(8):
            A[72 + q, 8 * a + 3] = N[a]
    return A.astype(np.float32)


_A2 = _build_lin_map()

_A128 = np.zeros((160, 128), np.float32)
_A128[0:80, 0:64] = _A2
_A128[80:160, 64:128] = _A2

_NC, _NS = 2, 16
_NW = _NC * _NS
_B = N_EL_C * 8
_PER_W = _B // _NW
_CH = 2000
_NCH = _PER_W // _CH
_NBUF = 4
_EB = 2000
_NBLK = N_EL_C // _EB


_HALF8 = (N_EL_C // 2) * 8
_ROWS_W = (N_EL_C // 2) // _NW
_RCH = _ROWS_W // _NCH
_ACH = _RCH * 8


@functools.lru_cache(maxsize=1)
def _make_sc_gather():
    mesh = plsc.VectorSubcoreMesh(
        core_axis_name="c", subcore_axis_name="s",
        num_cores=_NC, num_subcores=_NS)

    @functools.partial(
        pl.kernel,
        mesh=mesh,
        out_type=jax.ShapeDtypeStruct((_B, 8), jnp.float32),
        scratch_types=[
            *[pltpu.VMEM((_CH,), jnp.int32) for _ in range(_NBUF)],
            *[pltpu.VMEM((_CH, 8), jnp.float32) for _ in range(_NBUF)],
            pltpu.VMEM((_ACH,), jnp.int32),
            pltpu.VMEM((_ACH,), jnp.int32),
            *[pltpu.SemaphoreType.DMA for _ in range(2 * _NBUF)],
        ],
        compiler_params=pltpu.CompilerParams(
            use_tc_tiling_on_sc=False, needs_layout_passes=False),
    )
    def _sc_gather(tbl, idx, out, *bufs):
        idx_v = bufs[:_NBUF]
        rows_v = bufs[_NBUF:2 * _NBUF]
        idx_a, idx_b = bufs[2 * _NBUF], bufs[2 * _NBUF + 1]
        gsem = bufs[2 * _NBUF + 2:3 * _NBUF + 2]
        wsem = bufs[3 * _NBUF + 2:4 * _NBUF + 2]
        wid = lax.axis_index("s") * _NC + lax.axis_index("c")
        base = wid * _PER_W
        abase = wid * _ROWS_W * 8
        lane = lax.iota(jnp.int32, 16)
        sub = lane & 7
        is_lo = lane < 8

        def stage(c, b):
            off = base + c * _CH

            @pl.when(c >= _NBUF)
            def _():
                pltpu.make_async_copy(
                    rows_v[b], out.at[pl.ds(off, _CH)], wsem[b]).wait()

            aoff = abase + c * _ACH
            pltpu.sync_copy(idx.at[pl.ds(aoff, _ACH)], idx_a)
            pltpu.sync_copy(idx.at[pl.ds(_HALF8 + aoff, _ACH)], idx_b)

            def ilv(t, carry):
                ii = t * 8 + sub
                va = plsc.load_gather(idx_a, [ii])
                vb = plsc.load_gather(idx_b, [ii])
                idx_v[b][pl.ds(t * 16, 16)] = jnp.where(is_lo, va, vb)
                return carry

            lax.fori_loop(0, _RCH, ilv, 0)
            pltpu.async_copy(tbl.at[idx_v[b]], rows_v[b], gsem[b])

            b2 = (b - 2) % _NBUF

            @pl.when(c >= 2)
            def _():
                off2 = off - 2 * _CH
                pltpu.make_async_copy(
                    tbl.at[idx_v[b2]], rows_v[b2], gsem[b2]).wait()
                pltpu.async_copy(
                    rows_v[b2], out.at[pl.ds(off2, _CH)], wsem[b2])

        stage(0, 0)

        def body(g, carry):
            c0 = 1 + g * _NBUF
            for b in range(_NBUF):
                stage(c0 + b, (1 + b) % _NBUF)
            return carry

        lax.fori_loop(0, (_NCH - 1) // _NBUF, body, 0)

        for c in (_NCH - 2, _NCH - 1):
            b = c % _NBUF
            off = base + c * _CH
            pltpu.make_async_copy(
                tbl.at[idx_v[b]], rows_v[b], gsem[b]).wait()
            pltpu.async_copy(rows_v[b], out.at[pl.ds(off, _CH)], wsem[b])
        for c in range(_NCH - _NBUF, _NCH):
            b = c % _NBUF
            off = base + c * _CH
            pltpu.make_async_copy(
                rows_v[b], out.at[pl.ds(off, _CH)], wsem[b]).wait()

    return _sc_gather


_HB = 1000


def _fem_tc(a_ref, h_ref, o_ref):
    Q = lax.dot_general(
        a_ref[...], h_ref[...], (((1,), (1,)), ((), ())),
        preferred_element_type=jnp.float32,
        precision=lax.Precision.DEFAULT)
    for p in range(2):
        P = Q[80 * p:80 * (p + 1), :]
        J = [P[k * 8:(k + 1) * 8, :] for k in range(9)]
        F = P[72:80, :]
        det = (J[0] * (J[4] * J[8] - J[5] * J[7])
               - J[1] * (J[3] * J[8] - J[5] * J[6])
               + J[2] * (J[3] * J[7] - J[4] * J[6]))
        o_ref[0, p, :] = jnp.sum(F * det, axis=0)


def _tc_stage(a128, h):
    return pl.pallas_call(
        _fem_tc,
        grid=(_NBLK,),
        in_specs=[
            pl.BlockSpec((160, 128), lambda i: (0, 0)),
            pl.BlockSpec((_HB, 128), lambda i: (i, 0)),
        ],
        out_specs=pl.BlockSpec((1, 2, _HB), lambda i: (i, 0, 0)),
        out_shape=jax.ShapeDtypeStruct((_NBLK, 2, _HB), jnp.float32),
    )(a128, h)


def kernel(coords, nodal_values, elements):
    n = coords.shape[0]
    tbl = jnp.concatenate(
        [coords, nodal_values[:, None], jnp.zeros((n, 4), jnp.float32)],
        axis=1)
    idx = elements.astype(jnp.int32).reshape(-1)
    g = _make_sc_gather()(tbl, idx)
    h = g.reshape(N_EL_C // 2, 128)
    out = _tc_stage(jnp.asarray(_A128), h)
    return out.transpose(1, 0, 2).reshape(-1)

# --- scband reference (transcript-rebuilt; emitter-appended) ---
"""Pipeline reference for scband-operator-86294482911836 (READ-ONLY COPY).

The authoritative reference and input builder live on the scoring server;
editing this copy changes nothing except your own understanding.
"""

import jax, jax.numpy as jnp
import numpy as np

N_NODES = 50000
N_EL = 200000

_G = 1.0 / np.sqrt(3.0)
_SIGNS = np.array([[-1, -1, -1], [1, -1, -1], [1, 1, -1], [-1, 1, -1],
                   [-1, -1, 1], [1, -1, 1], [1, 1, 1], [-1, 1, 1]], dtype=np.float32)
S = jnp.asarray(_SIGNS)
QUAD_POINTS = jnp.asarray(_SIGNS * _G)          # (8, 3) 2x2x2 Gauss points for hex8
QUAD_WEIGHTS = jnp.ones((8,), dtype=jnp.float32)  # Gauss weights = 1 each


def shape_function(xi):
    # Trilinear hex8 shape functions, (8,)
    return 0.125 * (1.0 + S[:, 0] * xi[0]) * (1.0 + S[:, 1] * xi[1]) * (1.0 + S[:, 2] * xi[2])


def shape_grad(xi):
    # d N_a / d xi_i, (8, 3)
    g0 = 0.125 * S[:, 0] * (1.0 + S[:, 1] * xi[1]) * (1.0 + S[:, 2] * xi[2])
    g1 = 0.125 * (1.0 + S[:, 0] * xi[0]) * S[:, 1] * (1.0 + S[:, 2] * xi[2])
    g2 = 0.125 * (1.0 + S[:, 0] * xi[0]) * (1.0 + S[:, 1] * xi[1]) * S[:, 2]
    return jnp.stack([g0, g1, g2], axis=1)


def setup_inputs(seed: int = 0) -> dict:
    key = jax.random.key(seed)
    k1, k2, k3 = jax.random.split(key, 3)
    coords = jax.random.uniform(k1, (N_NODES, 3), dtype=jnp.float32)
    elements = jax.random.randint(k2, (N_EL, 8), 0, N_NODES)
    nodal_values = jax.random.normal(k3, (N_NODES,), dtype=jnp.float32)
    return {"coords": coords, "nodal_values": nodal_values, "elements": elements}


def reference(coords, nodal_values, elements):
    # Operator.__init__: gather element nodal coords (mesh.coords[mesh.elements])
    el_coords = coords[elements]            # (E, 8, 3)
    el_vals = nodal_values[elements]        # (E, 8)

    # get_jacobian at each quad point: J[q] = dN(xi_q)^T . el_coords, det_J = det(J)
    dN_q = jax.vmap(shape_grad)(QUAD_POINTS)                  # (nq, 8, 3)
    J = jnp.einsum('qai,eaj->eqij', dN_q, el_coords)          # (E, nq, 3, 3)
    det_J = jnp.linalg.det(J)                                 # (E, nq)

    # det_J_elements_weights = einsum('eq,q->eq', det_J, quad_weights)
    det_J_weights = jnp.einsum('eq,q->eq', det_J, QUAD_WEIGHTS)

    # eval: nodal field evaluated at quad points via shape functions
    N_q = jax.vmap(shape_function)(QUAD_POINTS)               # (nq, 8)
    field_at_quads = jnp.einsum('qa,ea->eq', N_q, el_vals)    # (E, nq)

    # integrate_per_element: einsum('eq...,eq->e...')
    per_element = jnp.einsum('eq,eq->e', field_at_quads, det_J_weights)  # (E,)
    return per_element

if __name__ == "__main__":
    import jax
    _d = setup_inputs()
    print(jax.jit(kernel)(*tuple(_d.values())))

</pallas_src>

<mosaic_0001>
#map = affine_map<(d0, d1) -> (0, 0)>
#map1 = affine_map<(d0, d1) -> (0)>
module attributes {stable_mosaic.version = 14 : i64} {
  func.func @_sc_gather(%arg0: i32, %arg1: i32, %arg2: memref<50000x8xf32, #tpu.memory_space<hbm>>, %arg3: memref<1600000xi32, #tpu.memory_space<hbm>>, %arg4: memref<1600000x8xf32, #tpu.memory_space<hbm>>, %arg5: memref<2000xi32, #tpu.memory_space<vmem>>, %arg6: memref<2000xi32, #tpu.memory_space<vmem>>, %arg7: memref<2000xi32, #tpu.memory_space<vmem>>, %arg8: memref<2000xi32, #tpu.memory_space<vmem>>, %arg9: memref<2000x8xf32, #tpu.memory_space<vmem>>, %arg10: memref<2000x8xf32, #tpu.memory_space<vmem>>, %arg11: memref<2000x8xf32, #tpu.memory_space<vmem>>, %arg12: memref<2000x8xf32, #tpu.memory_space<vmem>>, %arg13: memref<1000xi32, #tpu.memory_space<vmem>>, %arg14: memref<1000xi32, #tpu.memory_space<vmem>>, %arg15: memref<!tpu.dma_semaphore, #tpu.memory_space<semaphore_mem>>, %arg16: memref<!tpu.dma_semaphore, #tpu.memory_space<semaphore_mem>>, %arg17: memref<!tpu.dma_semaphore, #tpu.memory_space<semaphore_mem>>, %arg18: memref<!tpu.dma_semaphore, #tpu.memory_space<semaphore_mem>>, %arg19: memref<!tpu.dma_semaphore, #tpu.memory_space<semaphore_mem>>, %arg20: memref<!tpu.dma_semaphore, #tpu.memory_space<semaphore_mem>>, %arg21: memref<!tpu.dma_semaphore, #tpu.memory_space<semaphore_mem>>, %arg22: memref<!tpu.dma_semaphore, #tpu.memory_space<semaphore_mem>>) attributes {dimension_semantics = [#tpu.dimension_semantics<core_parallel>, #tpu.dimension_semantics<subcore_parallel>], iteration_bounds = array<i64: 2, 16>, scalar_prefetch = 0 : i64, scratch_operands = 18 : i64, tpu.core_type = #tpu.core_type<sc_vector_subcore>, window_params = [{transform_indices = #map}, {transform_indices = #map1}, {transform_indices = #map}]} {
    %mul3A = arith.constant 2 : i32
    %mul3A_0 = arith.muli %arg1, %mul3A : i32
    %add3A = arith.addi %mul3A_0, %arg0 : i32
    %mul3A_1 = arith.constant 50000 : i32
    %mul3A_2 = arith.muli %add3A, %mul3A_1 : i32
    %mul3A_3 = arith.constant 3125 : i32
    %mul3A_4 = arith.muli %add3A, %mul3A_3 : i32
    %mul3A_5 = arith.constant 8 : i32
    %mul3A_6 = arith.muli %mul3A_4, %mul3A_5 : i32
    %iota3A = tpu.iota {dimensions = array<i32: 0>} : vector<16xi32>
    %and3A = arith.constant 7 : i32
    %and3A_7 = vector.broadcast %and3A : i32 to vector<16xi32>
    %and3A_8 = arith.andi %iota3A, %and3A_7 : vector<16xi32>
    %lt3A = arith.constant 8 : i32
    %lt3A_9 = vector.broadcast %lt3A : i32 to vector<16xi32>
    %lt3A_10 = arith.cmpi slt, %iota3A, %lt3A_9 : vector<16xi32>
    %add3A_11 = arith.constant 0 : i32
    %add3A_12 = arith.addi %mul3A_2, %add3A_11 : i32
    %add3A_13 = arith.constant 0 : i32
    %add3A_14 = arith.addi %mul3A_6, %add3A_13 : i32
    "tpu.region"() ({
      %run_scoped3A = tpu.sem_alloc : memref<!tpu.dma_semaphore, #tpu.memory_space<semaphore_mem>>
      %dma_start3A_71 = tpu.memref_slice %arg3[%add3A_14] : memref<1600000xi32, #tpu.memory_space<hbm>> -> memref<1000xi32, #tpu.memory_space<hbm>>
      %dma_start3A_72 = tpu.memref_slice %arg3[%add3A_14] : memref<1600000xi32, #tpu.memory_space<hbm>> -> memref<1000xi32, #tpu.memory_space<hbm>>
      tpu.enqueue_dma source(%dma_start3A_72 : memref<1000xi32, #tpu.memory_space<hbm>>) target(%arg13 : memref<1000xi32, #tpu.memory_space<vmem>>) target_semaphore(%run_scoped3A : memref<!tpu.dma_semaphore, #tpu.memory_space<semaphore_mem>>)
      %dma_wait3A_73 = tpu.memref_slice %arg3[%add3A_14] : memref<1600000xi32, #tpu.memory_space<hbm>> -> memref<1000xi32, #tpu.memory_space<hbm>>
      %dma_wait3A_74 = tpu.memref_slice %arg3[%add3A_14] : memref<1600000xi32, #tpu.memory_space<hbm>> -> memref<1000xi32, #tpu.memory_space<hbm>>
      tpu.wait_dma2 semaphore(%run_scoped3A : memref<!tpu.dma_semaphore, #tpu.memory_space<semaphore_mem>>) src(%dma_wait3A_74 : memref<1000xi32, #tpu.memory_space<hbm>>) dst(%arg13 : memref<1000xi32, #tpu.memory_space<vmem>>)
      tpu.yield
    }) : () -> ()
    %add3A_15 = arith.constant 800000 : i32
    %add3A_16 = arith.addi %add3A_15, %add3A_14 : i32
    "tpu.region"() ({
      %run_scoped3A = tpu.sem_alloc : memref<!tpu.dma_semaphore, #tpu.memory_space<semaphore_mem>>
      %dma_start3A_71 = tpu.memref_slice %arg3[%add3A_16] : memref<1600000xi32, #tpu.memory_space<hbm>> -> memref<1000xi32, #tpu.memory_space<hbm>>
      %dma_start3A_72 = tpu.memref_slice %arg3[%add3A_16] : memref<1600000xi32, #tpu.memory_space<hbm>> -> memref<1000xi32, #tpu.memory_space<hbm>>
      tpu.enqueue_dma source(%dma_start3A_72 : memref<1000xi32, #tpu.memory_space<hbm>>) target(%arg14 : memref<1000xi32, #tpu.memory_space<vmem>>) target_semaphore(%run_scoped3A : memref<!tpu.dma_semaphore, #tpu.memory_space<semaphore_mem>>)
      %dma_wait3A_73 = tpu.memref_slice %arg3[%add3A_16] : memref<1600000xi32, #tpu.memory_space<hbm>> -> memref<1000xi32, #tpu.memory_space<hbm>>
      %dma_wait3A_74 = tpu.memref_slice %arg3[%add3A_16] : memref<1600000xi32, #tpu.memory_space<hbm>> -> memref<1000xi32, #tpu.memory_space<hbm>>
      tpu.wait_dma2 semaphore(%run_scoped3A : memref<!tpu.dma_semaphore, #tpu.memory_space<semaphore_mem>>) src(%dma_wait3A_74 : memref<1000xi32, #tpu.memory_space<hbm>>) dst(%arg14 : memref<1000xi32, #tpu.memory_space<vmem>>)
      tpu.yield
    }) : () -> ()
    %scan3A = arith.constant 0 : i32
    %scan3A_17 = arith.constant 0 : i32
    %scan3A_18 = arith.constant 125 : i32
    %scan3A_19 = arith.addi %scan3A_17, %scan3A_18 : i32
    %scan3A_20 = arith.constant 1 : i32
    scf.for %scan3A_71 = %scan3A_17 to %scan3A_19 step %scan3A_20  : i32 {
      %mul3A_72 = arith.constant 8 : i32
      %mul3A_73 = arith.muli %scan3A_71, %mul3A_72 : i32
      %add3A_74 = vector.broadcast %mul3A_73 : i32 to vector<16xi32>
      %add3A_75 = arith.addi %add3A_74, %and3A_8 : vector<16xi32>
      %gather3A = tpu.vector_load_idx %arg13[%add3A_75] : memref<1000xi32, #tpu.memory_space<vmem>>[vector<16xi32>], vector<16xi32>,
      %gather3A_76 = tpu.vector_load_idx %arg14[%add3A_75] : memref<1000xi32, #tpu.memory_space<vmem>>[vector<16xi32>], vector<16xi32>,
      %select_n3A = arith.select %lt3A_10, %gather3A, %gather3A_76 : vector<16xi1>, vector<16xi32>
      %mul3A_77 = arith.constant 16 : i32
      %mul3A_78 = arith.muli %scan3A_71, %mul3A_77 : i32
      %swap3A = arith.index_cast %mul3A_78 : i32 to index
      %swap3A_79 = tpu.vector_load %arg5[%swap3A] {strides = array<i32>} : memref<2000xi32, #tpu.memory_space<vmem>>, vector<16xi32>,
      tpu.vector_store %arg5[%swap3A], %select_n3A {strides = array<i32>} : memref<2000xi32, #tpu.memory_space<vmem>>, vector<16xi32>,
    }
    %scan3A_21 = arith.constant 125 : i32
    %dma_start3A = arith.constant 0 : i32
    %dma_start3A_22 = arith.constant 0 : i32
    %dma_start3A_23 = tpu.memref_slice %arg2[%dma_start3A, %dma_start3A_22] : memref<50000x8xf32, #tpu.memory_space<hbm>> -> memref<50000x8xf32, #tpu.memory_space<hbm>>
    tpu.enqueue_indirect_dma source(%dma_start3A_23 : memref<50000x8xf32, #tpu.memory_space<hbm>>) target(%arg9 : memref<2000x8xf32, #tpu.memory_space<vmem>>) offsets(%arg5 : memref<2000xi32, #tpu.memory_space<vmem>>) semaphore(%arg15 : memref<!tpu.dma_semaphore, #tpu.memory_space<semaphore_mem>>)
    %scan3A_24 = arith.constant 0 : i32
    %scan3A_25 = arith.constant 0 : i32
    %scan3A_26 = arith.constant 6 : i32
    %scan3A_27 = arith.addi %scan3A_25, %scan3A_26 : i32
    %scan3A_28 = arith.constant 1 : i32
    scf.for %scan3A_71 = %scan3A_25 to %scan3A_27 step %scan3A_28  : i32 {
      %mul3A_72 = arith.constant 4 : i32
      %mul3A_73 = arith.muli %scan3A_71, %mul3A_72 : i32
      %add3A_74 = arith.constant 1 : i32
      %add3A_75 = arith.addi %add3A_74, %mul3A_73 : i32
      %add3A_76 = arith.constant 0 : i32
      %add3A_77 = arith.addi %add3A_75, %add3A_76 : i32
      %mul3A_78 = arith.constant 2000 : i32
      %mul3A_79 = arith.muli %add3A_77, %mul3A_78 : i32
      %add3A_80 = arith.addi %mul3A_2, %mul3A_79 : i32
      %ge3A = arith.constant 4 : i32
      %ge3A_81 = arith.cmpi sge, %add3A_77, %ge3A : i32
      %convert_element_type3A = arith.extui %ge3A_81 : i1 to i32
      %cond3A = arith.constant 0 : i32
      %cond3A_82 = arith.cmpi ne, %convert_element_type3A, %cond3A : i32
      scf.if %cond3A_82 {
        %dma_wait3A_189 = arith.constant 0 : i32
        %dma_wait3A_190 = tpu.memref_slice %arg4[%add3A_80, %dma_wait3A_189] : memref<1600000x8xf32, #tpu.memory_space<hbm>> -> memref<2000x8xf32, #tpu.memory_space<hbm>>
        %dma_wait3A_191 = arith.constant 0 : i32
        %dma_wait3A_192 = tpu.memref_slice %arg4[%add3A_80, %dma_wait3A_191] : memref<1600000x8xf32, #tpu.memory_space<hbm>> -> memref<2000x8xf32, #tpu.memory_space<hbm>>
        tpu.wait_dma2 semaphore(%arg20 : memref<!tpu.dma_semaphore, #tpu.memory_space<semaphore_mem>>) src(%arg10 : memref<2000x8xf32, #tpu.memory_space<vmem>>) dst(%dma_wait3A_192 : memref<2000x8xf32, #tpu.memory_space<hbm>>)
      } else {
      }
      %mul3A_83 = arith.constant 1000 : i32
      %mul3A_84 = arith.muli %add3A_77, %mul3A_83 : i32
      %add3A_85 = arith.addi %mul3A_6, %mul3A_84 : i32
      "tpu.region"() ({
        %run_scoped3A = tpu.sem_alloc : memref<!tpu.dma_semaphore, #tpu.memory_space<semaphore_mem>>
        %dma_start3A_189 = tpu.memref_slice %arg3[%add3A_85] : memref<1600000xi32, #tpu.memory_space<hbm>> -> memref<1000xi32, #tpu.memory_space<hbm>>
        %dma_start3A_190 = tpu.memref_slice %arg3[%add3A_85] : memref<1600000xi32, #tpu.memory_space<hbm>> -> memref<1000xi32, #tpu.memory_space<hbm>>
        tpu.enqueue_dma source(%dma_start3A_190 : memref<1000xi32, #tpu.memory_space<hbm>>) target(%arg13 : memref<1000xi32, #tpu.memory_space<vmem>>) target_semaphore(%run_scoped3A : memref<!tpu.dma_semaphore, #tpu.memory_space<semaphore_mem>>)
        %dma_wait3A_191 = tpu.memref_slice %arg3[%add3A_85] : memref<1600000xi32, #tpu.memory_space<hbm>> -> memref<1000xi32, #tpu.memory_space<hbm>>
        %dma_wait3A_192 = tpu.memref_slice %arg3[%add3A_85] : memref<1600000xi32, #tpu.memory_space<hbm>> -> memref<1000xi32, #tpu.memory_space<hbm>>
        tpu.wait_dma2 semaphore(%run_scoped3A : memref<!tpu.dma_semaphore, #tpu.memory_space<semaphore_mem>>) src(%dma_wait3A_192 : memref<1000xi32, #tpu.memory_space<hbm>>) dst(%arg13 : memref<1000xi32, #tpu.memory_space<vmem>>)
        tpu.yield
      }) : () -> ()
      %add3A_86 = arith.constant 800000 : i32
      %add3A_87 = arith.addi %add3A_86, %add3A_85 : i32
      "tpu.region"() ({
        %run_scoped3A = tpu.sem_alloc : memref<!tpu.dma_semaphore, #tpu.memory_space<semaphore_mem>>
        %dma_start3A_189 = tpu.memref_slice %arg3[%add3A_87] : memref<1600000xi32, #tpu.memory_space<hbm>> -> memref<1000xi32, #tpu.memory_space<hbm>>
        %dma_start3A_190 = tpu.memref_slice %arg3[%add3A_87] : memref<1600000xi32, #tpu.memory_space<hbm>> -> memref<1000xi32, #tpu.memory_space<hbm>>
        tpu.enqueue_dma source(%dma_start3A_190 : memref<1000xi32, #tpu.memory_space<hbm>>) target(%arg14 : memref<1000xi32, #tpu.memory_space<vmem>>) target_semaphore(%run_scoped3A : memref<!tpu.dma_semaphore, #tpu.memory_space<semaphore_mem>>)
        %dma_wait3A_191 = tpu.memref_slice %arg3[%add3A_87] : memref<1600000xi32, #tpu.memory_space<hbm>> -> memref<1000xi32, #tpu.memory_space<hbm>>
        %dma_wait3A_192 = tpu.memref_slice %arg3[%add3A_87] : memref<1600000xi32, #tpu.memory_space<hbm>> -> memref<1000xi32, #tpu.memory_space<hbm>>
        tpu.wait_dma2 semaphore(%run_scoped3A : memref<!tpu.dma_semaphore, #tpu.memory_space<semaphore_mem>>) src(%dma_wait3A_192 : memref<1000xi32, #tpu.memory_space<hbm>>) dst(%arg14 : memref<1000xi32, #tpu.memory_space<vmem>>)
        tpu.yield
      }) : () -> ()
      %scan3A_88 = arith.constant 0 : i32
      %scan3A_89 = arith.constant 0 : i32
      %scan3A_90 = arith.constant 125 : i32
      %scan3A_91 = arith.addi %scan3A_89, %scan3A_90 : i32
      %scan3A_92 = arith.constant 1 : i32
      scf.for %scan3A_189 = %scan3A_89 to %scan3A_91 step %scan3A_92  : i32 {
        %mul3A_190 = arith.constant 8 : i32
        %mul3A_191 = arith.muli %scan3A_189, %mul3A_190 : i32
        %add3A_192 = vector.broadcast %mul3A_191 : i32 to vector<16xi32>
        %add3A_193 = arith.addi %add3A_192, %and3A_8 : vector<16xi32>
        %gather3A = tpu.vector_load_idx %arg13[%add3A_193] : memref<1000xi32, #tpu.memory_space<vmem>>[vector<16xi32>], vector<16xi32>,
        %gather3A_194 = tpu.vector_load_idx %arg14[%add3A_193] : memref<1000xi32, #tpu.memory_space<vmem>>[vector<16xi32>], vector<16xi32>,
        %select_n3A = arith.select %lt3A_10, %gather3A, %gather3A_194 : vector<16xi1>, vector<16xi32>
        %mul3A_195 = arith.constant 16 : i32
        %mul3A_196 = arith.muli %scan3A_189, %mul3A_195 : i32
        %swap3A = arith.index_cast %mul3A_196 : i32 to index
        %swap3A_197 = tpu.vector_load %arg6[%swap3A] {strides = array<i32>} : memref<2000xi32, #tpu.memory_space<vmem>>, vector<16xi32>,
        tpu.vector_store %arg6[%swap3A], %select_n3A {strides = array<i32>} : memref<2000xi32, #tpu.memory_space<vmem>>, vector<16xi32>,
      }
      %scan3A_93 = arith.constant 125 : i32
      %dma_start3A_94 = arith.constant 0 : i32
      %dma_start3A_95 = arith.constant 0 : i32
      %dma_start3A_96 = tpu.memref_slice %arg2[%dma_start3A_94, %dma_start3A_95] : memref<50000x8xf32, #tpu.memory_space<hbm>> -> memref<50000x8xf32, #tpu.memory_space<hbm>>
      tpu.enqueue_indirect_dma source(%dma_start3A_96 : memref<50000x8xf32, #tpu.memory_space<hbm>>) target(%arg10 : memref<2000x8xf32, #tpu.memory_space<vmem>>) offsets(%arg6 : memref<2000xi32, #tpu.memory_space<vmem>>) semaphore(%arg16 : memref<!tpu.dma_semaphore, #tpu.memory_space<semaphore_mem>>)
      %ge3A_97 = arith.constant 2 : i32
      %ge3A_98 = arith.cmpi sge, %add3A_77, %ge3A_97 : i32
      %convert_element_type3A_99 = arith.extui %ge3A_98 : i1 to i32
      %cond3A_100 = arith.constant 0 : i32
      %cond3A_101 = arith.cmpi ne, %convert_element_type3A_99, %cond3A_100 : i32
      scf.if %cond3A_101 {
        %sub3A = arith.constant 4000 : i32
        %sub3A_189 = arith.subi %add3A_80, %sub3A : i32
        %dma_wait3A_190 = arith.constant 0 : i32
        %dma_wait3A_191 = arith.constant 0 : i32
        %dma_wait3A_192 = tpu.memref_slice %arg2[%dma_wait3A_190, %dma_wait3A_191] : memref<50000x8xf32, #tpu.memory_space<hbm>> -> memref<50000x8xf32, #tpu.memory_space<hbm>>
        tpu.wait_indirect_dma semaphore(%arg18 : memref<!tpu.dma_semaphore, #tpu.memory_space<semaphore_mem>>) src(%dma_wait3A_192 : memref<50000x8xf32, #tpu.memory_space<hbm>>) dst(%arg12 : memref<2000x8xf32, #tpu.memory_space<vmem>>)
        %dma_start3A_193 = arith.constant 0 : i32
        %dma_start3A_194 = tpu.memref_slice %arg4[%sub3A_189, %dma_start3A_193] : memref<1600000x8xf32, #tpu.memory_space<hbm>> -> memref<2000x8xf32, #tpu.memory_space<hbm>>
        %dma_start3A_195 = arith.constant 0 : i32
        %dma_start3A_196 = tpu.memref_slice %arg4[%sub3A_189, %dma_start3A_195] : memref<1600000x8xf32, #tpu.memory_space<hbm>> -> memref<2000x8xf32, #tpu.memory_space<hbm>>
        tpu.enqueue_dma source(%arg12 : memref<2000x8xf32, #tpu.memory_space<vmem>>) target(%dma_start3A_196 : memref<2000x8xf32, #tpu.memory_space<hbm>>) target_semaphore(%arg22 : memref<!tpu.dma_semaphore, #tpu.memory_space<semaphore_mem>>)
      } else {
      }
      %add3A_102 = arith.constant 1 : i32
      %add3A_103 = arith.addi %add3A_75, %add3A_102 : i32
      %mul3A_104 = arith.constant 2000 : i32
      %mul3A_105 = arith.muli %add3A_103, %mul3A_104 : i32
      %add3A_106 = arith.addi %mul3A_2, %mul3A_105 : i32
      %ge3A_107 = arith.constant 4 : i32
      %ge3A_108 = arith.cmpi sge, %add3A_103, %ge3A_107 : i32
      %convert_element_type3A_109 = arith.extui %ge3A_108 : i1 to i32
      %cond3A_110 = arith.constant 0 : i32
      %cond3A_111 = arith.cmpi ne, %convert_element_type3A_109, %cond3A_110 : i32
      scf.if %cond3A_111 {
        %dma_wait3A_189 = arith.constant 0 : i32
        %dma_wait3A_190 = tpu.memref_slice %arg4[%add3A_106, %dma_wait3A_189] : memref<1600000x8xf32, #tpu.memory_space<hbm>> -> memref<2000x8xf32, #tpu.memory_space<hbm>>
        %dma_wait3A_191 = arith.constant 0 : i32
        %dma_wait3A_192 = tpu.memref_slice %arg4[%add3A_106, %dma_wait3A_191] : memref<1600000x8xf32, #tpu.memory_space<hbm>> -> memref<2000x8xf32, #tpu.memory_space<hbm>>
        tpu.wait_dma2 semaphore(%arg21 : memref<!tpu.dma_semaphore, #tpu.memory_space<semaphore_mem>>) src(%arg11 : memref<2000x8xf32, #tpu.memory_space<vmem>>) dst(%dma_wait3A_192 : memref<2000x8xf32, #tpu.memory_space<hbm>>)
      } else {
      }
      %mul3A_112 = arith.constant 1000 : i32
      %mul3A_113 = arith.muli %add3A_103, %mul3A_112 : i32
      %add3A_114 = arith.addi %mul3A_6, %mul3A_113 : i32
      "tpu.region"() ({
        %run_scoped3A = tpu.sem_alloc : memref<!tpu.dma_semaphore, #tpu.memory_space<semaphore_mem>>
        %dma_start3A_189 = tpu.memref_slice %arg3[%add3A_114] : memref<1600000xi32, #tpu.memory_space<hbm>> -> memref<1000xi32, #tpu.memory_space<hbm>>
        %dma_start3A_190 = tpu.memref_slice %arg3[%add3A_114] : memref<1600000xi32, #tpu.memory_space<hbm>> -> memref<1000xi32, #tpu.memory_space<hbm>>
        tpu.enqueue_dma source(%dma_start3A_190 : memref<1000xi32, #tpu.memory_space<hbm>>) target(%arg13 : memref<1000xi32, #tpu.memory_space<vmem>>) target_semaphore(%run_scoped3A : memref<!tpu.dma_semaphore, #tpu.memory_space<semaphore_mem>>)
        %dma_wait3A_191 = tpu.memref_slice %arg3[%add3A_114] : memref<1600000xi32, #tpu.memory_space<hbm>> -> memref<1000xi32, #tpu.memory_space<hbm>>
        %dma_wait3A_192 = tpu.memref_slice %arg3[%add3A_114] : memref<1600000xi32, #tpu.memory_space<hbm>> -> memref<1000xi32, #tpu.memory_space<hbm>>
        tpu.wait_dma2 semaphore(%run_scoped3A : memref<!tpu.dma_semaphore, #tpu.memory_space<semaphore_mem>>) src(%dma_wait3A_192 : memref<1000xi32, #tpu.memory_space<hbm>>) dst(%arg13 : memref<1000xi32, #tpu.memory_space<vmem>>)
        tpu.yield
      }) : () -> ()
      %add3A_115 = arith.constant 800000 : i32
      %add3A_116 = arith.addi %add3A_115, %add3A_114 : i32
      "tpu.region"() ({
        %run_scoped3A = tpu.sem_alloc : memref<!tpu.dma_semaphore, #tpu.memory_space<semaphore_mem>>
        %dma_start3A_189 = tpu.memref_slice %arg3[%add3A_116] : memref<1600000xi32, #tpu.memory_space<hbm>> -> memref<1000xi32, #tpu.memory_space<hbm>>
        %dma_start3A_190 = tpu.memref_slice %arg3[%add3A_116] : memref<1600000xi32, #tpu.memory_space<hbm>> -> memref<1000xi32, #tpu.memory_space<hbm>>
        tpu.enqueue_dma source(%dma_start3A_190 : memref<1000xi32, #tpu.memory_space<hbm>>) target(%arg14 : memref<1000xi32, #tpu.memory_space<vmem>>) target_semaphore(%run_scoped3A : memref<!tpu.dma_semaphore, #tpu.memory_space<semaphore_mem>>)
        %dma_wait3A_191 = tpu.memref_slice %arg3[%add3A_116] : memref<1600000xi32, #tpu.memory_space<hbm>> -> memref<1000xi32, #tpu.memory_space<hbm>>
        %dma_wait3A_192 = tpu.memref_slice %arg3[%add3A_116] : memref<1600000xi32, #tpu.memory_space<hbm>> -> memref<1000xi32, #tpu.memory_space<hbm>>
        tpu.wait_dma2 semaphore(%run_scoped3A : memref<!tpu.dma_semaphore, #tpu.memory_space<semaphore_mem>>) src(%dma_wait3A_192 : memref<1000xi32, #tpu.memory_space<hbm>>) dst(%arg14 : memref<1000xi32, #tpu.memory_space<vmem>>)
        tpu.yield
      }) : () -> ()
      %scan3A_117 = arith.constant 0 : i32
      %scan3A_118 = arith.constant 0 : i32
      %scan3A_119 = arith.constant 125 : i32
      %scan3A_120 = arith.addi %scan3A_118, %scan3A_119 : i32
      %scan3A_121 = arith.constant 1 : i32
      scf.for %scan3A_189 = %scan3A_118 to %scan3A_120 step %scan3A_121  : i32 {
        %mul3A_190 = arith.constant 8 : i32
        %mul3A_191 = arith.muli %scan3A_189, %mul3A_190 : i32
        %add3A_192 = vector.broadcast %mul3A_191 : i32 to vector<16xi32>
        %add3A_193 = arith.addi %add3A_192, %and3A_8 : vector<16xi32>
        %gather3A = tpu.vector_load_idx %arg13[%add3A_193] : memref<1000xi32, #tpu.memory_space<vmem>>[vector<16xi32>], vector<16xi32>,
        %gather3A_194 = tpu.vector_load_idx %arg14[%add3A_193] : memref<1000xi32, #tpu.memory_space<vmem>>[vector<16xi32>], vector<16xi32>,
        %select_n3A = arith.select %lt3A_10, %gather3A, %gather3A_194 : vector<16xi1>, vector<16xi32>
        %mul3A_195 = arith.constant 16 : i32
        %mul3A_196 = arith.muli %scan3A_189, %mul3A_195 : i32
        %swap3A = arith.index_cast %mul3A_196 : i32 to index
        %swap3A_197 = tpu.vector_load %arg7[%swap3A] {strides = array<i32>} : memref<2000xi32, #tpu.memory_space<vmem>>, vector<16xi32>,
        tpu.vector_store %arg7[%swap3A], %select_n3A {strides = array<i32>} : memref<2000xi32, #tpu.memory_space<vmem>>, vector<16xi32>,
      }
      %scan3A_122 = arith.constant 125 : i32
      %dma_start3A_123 = arith.constant 0 : i32
      %dma_start3A_124 = arith.constant 0 : i32
      %dma_start3A_125 = tpu.memref_slice %arg2[%dma_start3A_123, %dma_start3A_124] : memref<50000x8xf32, #tpu.memory_space<hbm>> -> memref<50000x8xf32, #tpu.memory_space<hbm>>
      tpu.enqueue_indirect_dma source(%dma_start3A_125 : memref<50000x8xf32, #tpu.memory_space<hbm>>) target(%arg11 : memref<2000x8xf32, #tpu.memory_space<vmem>>) offsets(%arg7 : memref<2000xi32, #tpu.memory_space<vmem>>) semaphore(%arg17 : memref<!tpu.dma_semaphore, #tpu.memory_space<semaphore_mem>>)
      %ge3A_126 = arith.constant 2 : i32
      %ge3A_127 = arith.cmpi sge, %add3A_103, %ge3A_126 : i32
      %convert_element_type3A_128 = arith.extui %ge3A_127 : i1 to i32
      %cond3A_129 = arith.constant 0 : i32
      %cond3A_130 = arith.cmpi ne, %convert_element_type3A_128, %cond3A_129 : i32
      scf.if %cond3A_130 {
        %sub3A = arith.constant 4000 : i32
        %sub3A_189 = arith.subi %add3A_106, %sub3A : i32
        %dma_wait3A_190 = arith.constant 0 : i32
        %dma_wait3A_191 = arith.constant 0 : i32
        %dma_wait3A_192 = tpu.memref_slice %arg2[%dma_wait3A_190, %dma_wait3A_191] : memref<50000x8xf32, #tpu.memory_space<hbm>> -> memref<50000x8xf32, #tpu.memory_space<hbm>>
        tpu.wait_indirect_dma semaphore(%arg15 : memref<!tpu.dma_semaphore, #tpu.memory_space<semaphore_mem>>) src(%dma_wait3A_192 : memref<50000x8xf32, #tpu.memory_space<hbm>>) dst(%arg9 : memref<2000x8xf32, #tpu.memory_space<vmem>>)
        %dma_start3A_193 = arith.constant 0 : i32
        %dma_start3A_194 = tpu.memref_slice %arg4[%sub3A_189, %dma_start3A_193] : memref<1600000x8xf32, #tpu.memory_space<hbm>> -> memref<2000x8xf32, #tpu.memory_space<hbm>>
        %dma_start3A_195 = arith.constant 0 : i32
        %dma_start3A_196 = tpu.memref_slice %arg4[%sub3A_189, %dma_start3A_195] : memref<1600000x8xf32, #tpu.memory_space<hbm>> -> memref<2000x8xf32, #tpu.memory_space<hbm>>
        tpu.enqueue_dma source(%arg9 : memref<2000x8xf32, #tpu.memory_space<vmem>>) target(%dma_start3A_196 : memref<2000x8xf32, #tpu.memory_space<hbm>>) target_semaphore(%arg19 : memref<!tpu.dma_semaphore, #tpu.memory_space<semaphore_mem>>)
      } else {
      }
      %add3A_131 = arith.constant 2 : i32
      %add3A_132 = arith.addi %add3A_75, %add3A_131 : i32
      %mul3A_133 = arith.constant 2000 : i32
      %mul3A_134 = arith.muli %add3A_132, %mul3A_133 : i32
      %add3A_135 = arith.addi %mul3A_2, %mul3A_134 : i32
      %ge3A_136 = arith.constant 4 : i32
      %ge3A_137 = arith.cmpi sge, %add3A_132, %ge3A_136 : i32
      %convert_element_type3A_138 = arith.extui %ge3A_137 : i1 to i32
      %cond3A_139 = arith.constant 0 : i32
      %cond3A_140 = arith.cmpi ne, %convert_element_type3A_138, %cond3A_139 : i32
      scf.if %cond3A_140 {
        %dma_wait3A_189 = arith.constant 0 : i32
        %dma_wait3A_190 = tpu.memref_slice %arg4[%add3A_135, %dma_wait3A_189] : memref<1600000x8xf32, #tpu.memory_space<hbm>> -> memref<2000x8xf32, #tpu.memory_space<hbm>>
        %dma_wait3A_191 = arith.constant 0 : i32
        %dma_wait3A_192 = tpu.memref_slice %arg4[%add3A_135, %dma_wait3A_191] : memref<1600000x8xf32, #tpu.memory_space<hbm>> -> memref<2000x8xf32, #tpu.memory_space<hbm>>
        tpu.wait_dma2 semaphore(%arg22 : memref<!tpu.dma_semaphore, #tpu.memory_space<semaphore_mem>>) src(%arg12 : memref<2000x8xf32, #tpu.memory_space<vmem>>) dst(%dma_wait3A_192 : memref<2000x8xf32, #tpu.memory_space<hbm>>)
      } else {
      }
      %mul3A_141 = arith.constant 1000 : i32
      %mul3A_142 = arith.muli %add3A_132, %mul3A_141 : i32
      %add3A_143 = arith.addi %mul3A_6, %mul3A_142 : i32
      "tpu.region"() ({
        %run_scoped3A = tpu.sem_alloc : memref<!tpu.dma_semaphore, #tpu.memory_space<semaphore_mem>>
        %dma_start3A_189 = tpu.memref_slice %arg3[%add3A_143] : memref<1600000xi32, #tpu.memory_space<hbm>> -> memref<1000xi32, #tpu.memory_space<hbm>>
        %dma_start3A_190 = tpu.memref_slice %arg3[%add3A_143] : memref<1600000xi32, #tpu.memory_space<hbm>> -> memref<1000xi32, #tpu.memory_space<hbm>>
        tpu.enqueue_dma source(%dma_start3A_190 : memref<1000xi32, #tpu.memory_space<hbm>>) target(%arg13 : memref<1000xi32, #tpu.memory_space<vmem>>) target_semaphore(%run_scoped3A : memref<!tpu.dma_semaphore, #tpu.memory_space<semaphore_mem>>)
        %dma_wait3A_191 = tpu.memref_slice %arg3[%add3A_143] : memref<1600000xi32, #tpu.memory_space<hbm>> -> memref<1000xi32, #tpu.memory_space<hbm>>
        %dma_wait3A_192 = tpu.memref_slice %arg3[%add3A_143] : memref<1600000xi32, #tpu.memory_space<hbm>> -> memref<1000xi32, #tpu.memory_space<hbm>>
        tpu.wait_dma2 semaphore(%run_scoped3A : memref<!tpu.dma_semaphore, #tpu.memory_space<semaphore_mem>>) src(%dma_wait3A_192 : memref<1000xi32, #tpu.memory_space<hbm>>) dst(%arg13 : memref<1000xi32, #tpu.memory_space<vmem>>)
        tpu.yield
      }) : () -> ()
      %add3A_144 = arith.constant 800000 : i32
      %add3A_145 = arith.addi %add3A_144, %add3A_143 : i32
      "tpu.region"() ({
        %run_scoped3A = tpu.sem_alloc : memref<!tpu.dma_semaphore, #tpu.memory_space<semaphore_mem>>
        %dma_start3A_189 = tpu.memref_slice %arg3[%add3A_145] : memref<1600000xi32, #tpu.memory_space<hbm>> -> memref<1000xi32, #tpu.memory_space<hbm>>
        %dma_start3A_190 = tpu.memref_slice %arg3[%add3A_145] : memref<1600000xi32, #tpu.memory_space<hbm>> -> memref<1000xi32, #tpu.memory_space<hbm>>
        tpu.enqueue_dma source(%dma_start3A_190 : memref<1000xi32, #tpu.memory_space<hbm>>) target(%arg14 : memref<1000xi32, #tpu.memory_space<vmem>>) target_semaphore(%run_scoped3A : memref<!tpu.dma_semaphore, #tpu.memory_space<semaphore_mem>>)
        %dma_wait3A_191 = tpu.memref_slice %arg3[%add3A_145] : memref<1600000xi32, #tpu.memory_space<hbm>> -> memref<1000xi32, #tpu.memory_space<hbm>>
        %dma_wait3A_192 = tpu.memref_slice %arg3[%add3A_145] : memref<1600000xi32, #tpu.memory_space<hbm>> -> memref<1000xi32, #tpu.memory_space<hbm>>
        tpu.wait_dma2 semaphore(%run_scoped3A : memref<!tpu.dma_semaphore, #tpu.memory_space<semaphore_mem>>) src(%dma_wait3A_192 : memref<1000xi32, #tpu.memory_space<hbm>>) dst(%arg14 : memref<1000xi32, #tpu.memory_space<vmem>>)
        tpu.yield
      }) : () -> ()
      %scan3A_146 = arith.constant 0 : i32
      %scan3A_147 = arith.constant 0 : i32
      %scan3A_148 = arith.constant 125 : i32
      %scan3A_149 = arith.addi %scan3A_147, %scan3A_148 : i32
      %scan3A_150 = arith.constant 1 : i32
      scf.for %scan3A_189 = %scan3A_147 to %scan3A_149 step %scan3A_150  : i32 {
        %mul3A_190 = arith.constant 8 : i32
        %mul3A_191 = arith.muli %scan3A_189, %mul3A_190 : i32
        %add3A_192 = vector.broadcast %mul3A_191 : i32 to vector<16xi32>
        %add3A_193 = arith.addi %add3A_192, %and3A_8 : vector<16xi32>
        %gather3A = tpu.vector_load_idx %arg13[%add3A_193] : memref<1000xi32, #tpu.memory_space<vmem>>[vector<16xi32>], vector<16xi32>,
        %gather3A_194 = tpu.vector_load_idx %arg14[%add3A_193] : memref<1000xi32, #tpu.memory_space<vmem>>[vector<16xi32>], vector<16xi32>,
        %select_n3A = arith.select %lt3A_10, %gather3A, %gather3A_194 : vector<16xi1>, vector<16xi32>
        %mul3A_195 = arith.constant 16 : i32
        %mul3A_196 = arith.muli %scan3A_189, %mul3A_195 : i32
        %swap3A = arith.index_cast %mul3A_196 : i32 to index
        %swap3A_197 = tpu.vector_load %arg8[%swap3A] {strides = array<i32>} : memref<2000xi32, #tpu.memory_space<vmem>>, vector<16xi32>,
        tpu.vector_store %arg8[%swap3A], %select_n3A {strides = array<i32>} : memref<2000xi32, #tpu.memory_space<vmem>>, vector<16xi32>,
      }
      %scan3A_151 = arith.constant 125 : i32
      %dma_start3A_152 = arith.constant 0 : i32
      %dma_start3A_153 = arith.constant 0 : i32
      %dma_start3A_154 = tpu.memref_slice %arg2[%dma_start3A_152, %dma_start3A_153] : memref<50000x8xf32, #tpu.memory_space<hbm>> -> memref<50000x8xf32, #tpu.memory_space<hbm>>
      tpu.enqueue_indirect_dma source(%dma_start3A_154 : memref<50000x8xf32, #tpu.memory_space<hbm>>) target(%arg12 : memref<2000x8xf32, #tpu.memory_space<vmem>>) offsets(%arg8 : memref<2000xi32, #tpu.memory_space<vmem>>) semaphore(%arg18 : memref<!tpu.dma_semaphore, #tpu.memory_space<semaphore_mem>>)
      %ge3A_155 = arith.constant 2 : i32
      %ge3A_156 = arith.cmpi sge, %add3A_132, %ge3A_155 : i32
      %convert_element_type3A_157 = arith.extui %ge3A_156 : i1 to i32
      %cond3A_158 = arith.constant 0 : i32
      %cond3A_159 = arith.cmpi ne, %convert_element_type3A_157, %cond3A_158 : i32
      scf.if %cond3A_159 {
        %sub3A = arith.constant 4000 : i32
        %sub3A_189 = arith.subi %add3A_135, %sub3A : i32
        %dma_wait3A_190 = arith.constant 0 : i32
        %dma_wait3A_191 = arith.constant 0 : i32
        %dma_wait3A_192 = tpu.memref_slice %arg2[%dma_wait3A_190, %dma_wait3A_191] : memref<50000x8xf32, #tpu.memory_space<hbm>> -> memref<50000x8xf32, #tpu.memory_space<hbm>>
        tpu.wait_indirect_dma semaphore(%arg16 : memref<!tpu.dma_semaphore, #tpu.memory_space<semaphore_mem>>) src(%dma_wait3A_192 : memref<50000x8xf32, #tpu.memory_space<hbm>>) dst(%arg10 : memref<2000x8xf32, #tpu.memory_space<vmem>>)
        %dma_start3A_193 = arith.constant 0 : i32
        %dma_start3A_194 = tpu.memref_slice %arg4[%sub3A_189, %dma_start3A_193] : memref<1600000x8xf32, #tpu.memory_space<hbm>> -> memref<2000x8xf32, #tpu.memory_space<hbm>>
        %dma_start3A_195 = arith.constant 0 : i32
        %dma_start3A_196 = tpu.memref_slice %arg4[%sub3A_189, %dma_start3A_195] : memref<1600000x8xf32, #tpu.memory_space<hbm>> -> memref<2000x8xf32, #tpu.memory_space<hbm>>
        tpu.enqueue_dma source(%arg10 : memref<2000x8xf32, #tpu.memory_space<vmem>>) target(%dma_start3A_196 : memref<2000x8xf32, #tpu.memory_space<hbm>>) target_semaphore(%arg20 : memref<!tpu.dma_semaphore, #tpu.memory_space<semaphore_mem>>)
      } else {
      }
      %add3A_160 = arith.constant 3 : i32
      %add3A_161 = arith.addi %add3A_75, %add3A_160 : i32
      %mul3A_162 = arith.constant 2000 : i32
      %mul3A_163 = arith.muli %add3A_161, %mul3A_162 : i32
      %add3A_164 = arith.addi %mul3A_2, %mul3A_163 : i32
      %ge3A_165 = arith.constant 4 : i32
      %ge3A_166 = arith.cmpi sge, %add3A_161, %ge3A_165 : i32
      %convert_element_type3A_167 = arith.extui %ge3A_166 : i1 to i32
      %cond3A_168 = arith.constant 0 : i32
      %cond3A_169 = arith.cmpi ne, %convert_element_type3A_167, %cond3A_168 : i32
      scf.if %cond3A_169 {
        %dma_wait3A_189 = arith.constant 0 : i32
        %dma_wait3A_190 = tpu.memref_slice %arg4[%add3A_164, %dma_wait3A_189] : memref<1600000x8xf32, #tpu.memory_space<hbm>> -> memref<2000x8xf32, #tpu.memory_space<hbm>>
        %dma_wait3A_191 = arith.constant 0 : i32
        %dma_wait3A_192 = tpu.memref_slice %arg4[%add3A_164, %dma_wait3A_191] : memref<1600000x8xf32, #tpu.memory_space<hbm>> -> memref<2000x8xf32, #tpu.memory_space<hbm>>
        tpu.wait_dma2 semaphore(%arg19 : memref<!tpu.dma_semaphore, #tpu.memory_space<semaphore_mem>>) src(%arg9 : memref<2000x8xf32, #tpu.memory_space<vmem>>) dst(%dma_wait3A_192 : memref<2000x8xf32, #tpu.memory_space<hbm>>)
      } else {
      }
      %mul3A_170 = arith.constant 1000 : i32
      %mul3A_171 = arith.muli %add3A_161, %mul3A_170 : i32
      %add3A_172 = arith.addi %mul3A_6, %mul3A_171 : i32
      "tpu.region"() ({
        %run_scoped3A = tpu.sem_alloc : memref<!tpu.dma_semaphore, #tpu.memory_space<semaphore_mem>>
        %dma_start3A_189 = tpu.memref_slice %arg3[%add3A_172] : memref<1600000xi32, #tpu.memory_space<hbm>> -> memref<1000xi32, #tpu.memory_space<hbm>>
        %dma_start3A_190 = tpu.memref_slice %arg3[%add3A_172] : memref<1600000xi32, #tpu.memory_space<hbm>> -> memref<1000xi32, #tpu.memory_space<hbm>>
        tpu.enqueue_dma source(%dma_start3A_190 : memref<1000xi32, #tpu.memory_space<hbm>>) target(%arg13 : memref<1000xi32, #tpu.memory_space<vmem>>) target_semaphore(%run_scoped3A : memref<!tpu.dma_semaphore, #tpu.memory_space<semaphore_mem>>)
        %dma_wait3A_191 = tpu.memref_slice %arg3[%add3A_172] : memref<1600000xi32, #tpu.memory_space<hbm>> -> memref<1000xi32, #tpu.memory_space<hbm>>
        %dma_wait3A_192 = tpu.memref_slice %arg3[%add3A_172] : memref<1600000xi32, #tpu.memory_space<hbm>> -> memref<1000xi32, #tpu.memory_space<hbm>>
        tpu.wait_dma2 semaphore(%run_scoped3A : memref<!tpu.dma_semaphore, #tpu.memory_space<semaphore_mem>>) src(%dma_wait3A_192 : memref<1000xi32, #tpu.memory_space<hbm>>) dst(%arg13 : memref<1000xi32, #tpu.memory_space<vmem>>)
        tpu.yield
      }) : () -> ()
      %add3A_173 = arith.constant 800000 : i32
      %add3A_174 = arith.addi %add3A_173, %add3A_172 : i32
      "tpu.region"() ({
        %run_scoped3A = tpu.sem_alloc : memref<!tpu.dma_semaphore, #tpu.memory_space<semaphore_mem>>
        %dma_start3A_189 = tpu.memref_slice %arg3[%add3A_174] : memref<1600000xi32, #tpu.memory_space<hbm>> -> memref<1000xi32, #tpu.memory_space<hbm>>
        %dma_start3A_190 = tpu.memref_slice %arg3[%add3A_174] : memref<1600000xi32, #tpu.memory_space<hbm>> -> memref<1000xi32, #tpu.memory_space<hbm>>
        tpu.enqueue_dma source(%dma_start3A_190 : memref<1000xi32, #tpu.memory_space<hbm>>) target(%arg14 : memref<1000xi32, #tpu.memory_space<vmem>>) target_semaphore(%run_scoped3A : memref<!tpu.dma_semaphore, #tpu.memory_space<semaphore_mem>>)
        %dma_wait3A_191 = tpu.memref_slice %arg3[%add3A_174] : memref<1600000xi32, #tpu.memory_space<hbm>> -> memref<1000xi32, #tpu.memory_space<hbm>>
        %dma_wait3A_192 = tpu.memref_slice %arg3[%add3A_174] : memref<1600000xi32, #tpu.memory_space<hbm>> -> memref<1000xi32, #tpu.memory_space<hbm>>
        tpu.wait_dma2 semaphore(%run_scoped3A : memref<!tpu.dma_semaphore, #tpu.memory_space<semaphore_mem>>) src(%dma_wait3A_192 : memref<1000xi32, #tpu.memory_space<hbm>>) dst(%arg14 : memref<1000xi32, #tpu.memory_space<vmem>>)
        tpu.yield
      }) : () -> ()
      %scan3A_175 = arith.constant 0 : i32
      %scan3A_176 = arith.constant 0 : i32
      %scan3A_177 = arith.constant 125 : i32
      %scan3A_178 = arith.addi %scan3A_176, %scan3A_177 : i32
      %scan3A_179 = arith.constant 1 : i32
      scf.for %scan3A_189 = %scan3A_176 to %scan3A_178 step %scan3A_179  : i32 {
        %mul3A_190 = arith.constant 8 : i32
        %mul3A_191 = arith.muli %scan3A_189, %mul3A_190 : i32
        %add3A_192 = vector.broadcast %mul3A_191 : i32 to vector<16xi32>
        %add3A_193 = arith.addi %add3A_192, %and3A_8 : vector<16xi32>
        %gather3A = tpu.vector_load_idx %arg13[%add3A_193] : memref<1000xi32, #tpu.memory_space<vmem>>[vector<16xi32>], vector<16xi32>,
        %gather3A_194 = tpu.vector_load_idx %arg14[%add3A_193] : memref<1000xi32, #tpu.memory_space<vmem>>[vector<16xi32>], vector<16xi32>,
        %select_n3A = arith.select %lt3A_10, %gather3A, %gather3A_194 : vector<16xi1>, vector<16xi32>
        %mul3A_195 = arith.constant 16 : i32
        %mul3A_196 = arith.muli %scan3A_189, %mul3A_195 : i32
        %swap3A = arith.index_cast %mul3A_196 : i32 to index
        %swap3A_197 = tpu.vector_load %arg5[%swap3A] {strides = array<i32>} : memref<2000xi32, #tpu.memory_space<vmem>>, vector<16xi32>,
        tpu.vector_store %arg5[%swap3A], %select_n3A {strides = array<i32>} : memref<2000xi32, #tpu.memory_space<vmem>>, vector<16xi32>,
      }
      %scan3A_180 = arith.constant 125 : i32
      %dma_start3A_181 = arith.constant 0 : i32
      %dma_start3A_182 = arith.constant 0 : i32
      %dma_start3A_183 = tpu.memref_slice %arg2[%dma_start3A_181, %dma_start3A_182] : memref<50000x8xf32, #tpu.memory_space<hbm>> -> memref<50000x8xf32, #tpu.memory_space<hbm>>
      tpu.enqueue_indirect_dma source(%dma_start3A_183 : memref<50000x8xf32, #tpu.memory_space<hbm>>) target(%arg9 : memref<2000x8xf32, #tpu.memory_space<vmem>>) offsets(%arg5 : memref<2000xi32, #tpu.memory_space<vmem>>) semaphore(%arg15 : memref<!tpu.dma_semaphore, #tpu.memory_space<semaphore_mem>>)
      %ge3A_184 = arith.constant 2 : i32
      %ge3A_185 = arith.cmpi sge, %add3A_161, %ge3A_184 : i32
      %convert_element_type3A_186 = arith.extui %ge3A_185 : i1 to i32
      %cond3A_187 = arith.constant 0 : i32
      %cond3A_188 = arith.cmpi ne, %convert_element_type3A_186, %cond3A_187 : i32
      scf.if %cond3A_188 {
        %sub3A = arith.constant 4000 : i32
        %sub3A_189 = arith.subi %add3A_164, %sub3A : i32
        %dma_wait3A_190 = arith.constant 0 : i32
        %dma_wait3A_191 = arith.constant 0 : i32
        %dma_wait3A_192 = tpu.memref_slice %arg2[%dma_wait3A_190, %dma_wait3A_191] : memref<50000x8xf32, #tpu.memory_space<hbm>> -> memref<50000x8xf32, #tpu.memory_space<hbm>>
        tpu.wait_indirect_dma semaphore(%arg17 : memref<!tpu.dma_semaphore, #tpu.memory_space<semaphore_mem>>) src(%dma_wait3A_192 : memref<50000x8xf32, #tpu.memory_space<hbm>>) dst(%arg11 : memref<2000x8xf32, #tpu.memory_space<vmem>>)
        %dma_start3A_193 = arith.constant 0 : i32
        %dma_start3A_194 = tpu.memref_slice %arg4[%sub3A_189, %dma_start3A_193] : memref<1600000x8xf32, #tpu.memory_space<hbm>> -> memref<2000x8xf32, #tpu.memory_space<hbm>>
        %dma_start3A_195 = arith.constant 0 : i32
        %dma_start3A_196 = tpu.memref_slice %arg4[%sub3A_189, %dma_start3A_195] : memref<1600000x8xf32, #tpu.memory_space<hbm>> -> memref<2000x8xf32, #tpu.memory_space<hbm>>
        tpu.enqueue_dma source(%arg11 : memref<2000x8xf32, #tpu.memory_space<vmem>>) target(%dma_start3A_196 : memref<2000x8xf32, #tpu.memory_space<hbm>>) target_semaphore(%arg21 : memref<!tpu.dma_semaphore, #tpu.memory_space<semaphore_mem>>)
      } else {
      }
    }
    %scan3A_29 = arith.constant 6 : i32
    %add3A_30 = arith.constant 46000 : i32
    %add3A_31 = arith.addi %mul3A_2, %add3A_30 : i32
    %dma_wait3A = arith.constant 0 : i32
    %dma_wait3A_32 = arith.constant 0 : i32
    %dma_wait3A_33 = tpu.memref_slice %arg2[%dma_wait3A, %dma_wait3A_32] : memref<50000x8xf32, #tpu.memory_space<hbm>> -> memref<50000x8xf32, #tpu.memory_space<hbm>>
    tpu.wait_indirect_dma semaphore(%arg18 : memref<!tpu.dma_semaphore, #tpu.memory_space<semaphore_mem>>) src(%dma_wait3A_33 : memref<50000x8xf32, #tpu.memory_space<hbm>>) dst(%arg12 : memref<2000x8xf32, #tpu.memory_space<vmem>>)
    %dma_start3A_34 = arith.constant 0 : i32
    %dma_start3A_35 = tpu.memref_slice %arg4[%add3A_31, %dma_start3A_34] : memref<1600000x8xf32, #tpu.memory_space<hbm>> -> memref<2000x8xf32, #tpu.memory_space<hbm>>
    %dma_start3A_36 = arith.constant 0 : i32
    %dma_start3A_37 = tpu.memref_slice %arg4[%add3A_31, %dma_start3A_36] : memref<1600000x8xf32, #tpu.memory_space<hbm>> -> memref<2000x8xf32, #tpu.memory_space<hbm>>
    tpu.enqueue_dma source(%arg12 : memref<2000x8xf32, #tpu.memory_space<vmem>>) target(%dma_start3A_37 : memref<2000x8xf32, #tpu.memory_space<hbm>>) target_semaphore(%arg22 : memref<!tpu.dma_semaphore, #tpu.memory_space<semaphore_mem>>)
    %add3A_38 = arith.constant 48000 : i32
    %add3A_39 = arith.addi %mul3A_2, %add3A_38 : i32
    %dma_wait3A_40 = arith.constant 0 : i32
    %dma_wait3A_41 = arith.constant 0 : i32
    %dma_wait3A_42 = tpu.memref_slice %arg2[%dma_wait3A_40, %dma_wait3A_41] : memref<50000x8xf32, #tpu.memory_space<hbm>> -> memref<50000x8xf32, #tpu.memory_space<hbm>>
    tpu.wait_indirect_dma semaphore(%arg15 : memref<!tpu.dma_semaphore, #tpu.memory_space<semaphore_mem>>) src(%dma_wait3A_42 : memref<50000x8xf32, #tpu.memory_space<hbm>>) dst(%arg9 : memref<2000x8xf32, #tpu.memory_space<vmem>>)
    %dma_start3A_43 = arith.constant 0 : i32
    %dma_start3A_44 = tpu.memref_slice %arg4[%add3A_39, %dma_start3A_43] : memref<1600000x8xf32, #tpu.memory_space<hbm>> -> memref<2000x8xf32, #tpu.memory_space<hbm>>
    %dma_start3A_45 = arith.constant 0 : i32
    %dma_start3A_46 = tpu.memref_slice %arg4[%add3A_39, %dma_start3A_45] : memref<1600000x8xf32, #tpu.memory_space<hbm>> -> memref<2000x8xf32, #tpu.memory_space<hbm>>
    tpu.enqueue_dma source(%arg9 : memref<2000x8xf32, #tpu.memory_space<vmem>>) target(%dma_start3A_46 : memref<2000x8xf32, #tpu.memory_space<hbm>>) target_semaphore(%arg19 : memref<!tpu.dma_semaphore, #tpu.memory_space<semaphore_mem>>)
    %add3A_47 = arith.constant 42000 : i32
    %add3A_48 = arith.addi %mul3A_2, %add3A_47 : i32
    %dma_wait3A_49 = arith.constant 0 : i32
    %dma_wait3A_50 = tpu.memref_slice %arg4[%add3A_48, %dma_wait3A_49] : memref<1600000x8xf32, #tpu.memory_space<hbm>> -> memref<2000x8xf32, #tpu.memory_space<hbm>>
    %dma_wait3A_51 = arith.constant 0 : i32
    %dma_wait3A_52 = tpu.memref_slice %arg4[%add3A_48, %dma_wait3A_51] : memref<1600000x8xf32, #tpu.memory_space<hbm>> -> memref<2000x8xf32, #tpu.memory_space<hbm>>
    tpu.wait_dma2 semaphore(%arg20 : memref<!tpu.dma_semaphore, #tpu.memory_space<semaphore_mem>>) src(%arg10 : memref<2000x8xf32, #tpu.memory_space<vmem>>) dst(%dma_wait3A_52 : memref<2000x8xf32, #tpu.memory_space<hbm>>)
    %add3A_53 = arith.constant 44000 : i32
    %add3A_54 = arith.addi %mul3A_2, %add3A_53 : i32
    %dma_wait3A_55 = arith.constant 0 : i32
    %dma_wait3A_56 = tpu.memref_slice %arg4[%add3A_54, %dma_wait3A_55] : memref<1600000x8xf32, #tpu.memory_space<hbm>> -> memref<2000x8xf32, #tpu.memory_space<hbm>>
    %dma_wait3A_57 = arith.constant 0 : i32
    %dma_wait3A_58 = tpu.memref_slice %arg4[%add3A_54, %dma_wait3A_57] : memref<1600000x8xf32, #tpu.memory_space<hbm>> -> memref<2000x8xf32, #tpu.memory_space<hbm>>
    tpu.wait_dma2 semaphore(%arg21 : memref<!tpu.dma_semaphore, #tpu.memory_space<semaphore_mem>>) src(%arg11 : memref<2000x8xf32, #tpu.memory_space<vmem>>) dst(%dma_wait3A_58 : memref<2000x8xf32, #tpu.memory_space<hbm>>)
    %add3A_59 = arith.constant 46000 : i32
    %add3A_60 = arith.addi %mul3A_2, %add3A_59 : i32
    %dma_wait3A_61 = arith.constant 0 : i32
    %dma_wait3A_62 = tpu.memref_slice %arg4[%add3A_60, %dma_wait3A_61] : memref<1600000x8xf32, #tpu.memory_space<hbm>> -> memref<2000x8xf32, #tpu.memory_space<hbm>>
    %dma_wait3A_63 = arith.constant 0 : i32
    %dma_wait3A_64 = tpu.memref_slice %arg4[%add3A_60, %dma_wait3A_63] : memref<1600000x8xf32, #tpu.memory_space<hbm>> -> memref<2000x8xf32, #tpu.memory_space<hbm>>
    tpu.wait_dma2 semaphore(%arg22 : memref<!tpu.dma_semaphore, #tpu.memory_space<semaphore_mem>>) src(%arg12 : memref<2000x8xf32, #tpu.memory_space<vmem>>) dst(%dma_wait3A_64 : memref<2000x8xf32, #tpu.memory_space<hbm>>)
    %add3A_65 = arith.constant 48000 : i32
    %add3A_66 = arith.addi %mul3A_2, %add3A_65 : i32
    %dma_wait3A_67 = arith.constant 0 : i32
    %dma_wait3A_68 = tpu.memref_slice %arg4[%add3A_66, %dma_wait3A_67] : memref<1600000x8xf32, #tpu.memory_space<hbm>> -> memref<2000x8xf32, #tpu.memory_space<hbm>>
    %dma_wait3A_69 = arith.constant 0 : i32
    %dma_wait3A_70 = tpu.memref_slice %arg4[%add3A_66, %dma_wait3A_69] : memref<1600000x8xf32, #tpu.memory_space<hbm>> -> memref<2000x8xf32, #tpu.memory_space<hbm>>
    tpu.wait_dma2 semaphore(%arg19 : memref<!tpu.dma_semaphore, #tpu.memory_space<semaphore_mem>>) src(%arg9 : memref<2000x8xf32, #tpu.memory_space<vmem>>) dst(%dma_wait3A_70 : memref<2000x8xf32, #tpu.memory_space<hbm>>)
    return
  }
}

module attributes {stable_mosaic.version = 14 : i64} {
  func.func @_fem_tc(%arg0: i32, %arg1: memref<160x128xf32, #tpu.memory_space<vmem>>, %arg2: memref<1000x128xf32, #tpu.memory_space<vmem>>, %arg3: memref<1x2x1000xf32, #tpu.memory_space<vmem>>) attributes {dimension_semantics = [#tpu.dimension_semantics<arbitrary>], iteration_bounds = array<i64: 100>, scalar_prefetch = 0 : i64, scratch_operands = 0 : i64, tpu.core_type = #tpu.core_type<tc>, window_params = [{pipeline_mode = #tpu.pipeline_mode<synchronous>, transform_indices = @transform_0, window_bounds = array<i64: 160, 128>}, {transform_indices = @transform_1, window_bounds = array<i64: 1000, 128>}, {transform_indices = @transform_2, window_bounds = array<i64: 1, 2, 1000>}]} {
    %get3A = arith.constant 0 : index
    %get3A_0 = arith.constant 0 : index
    %get3A_1 = vector.load %arg1[%get3A, %get3A_0] : memref<160x128xf32, #tpu.memory_space<vmem>>, vector<160x128xf32>
    %get3A_2 = arith.constant 0 : index
    %get3A_3 = arith.constant 0 : index
    %get3A_4 = vector.load %arg2[%get3A_2, %get3A_3] : memref<1000x128xf32, #tpu.memory_space<vmem>>, vector<1000x128xf32>
    %dot_general3A = arith.constant dense<0.000000e+00> : vector<160x1000xf32>
    %dot_general3A_5 = tpu.matmul %get3A_1, %get3A_4, %dot_general3A {dimension_numbers = #tpu.dot_dimension_numbers<[1], [1], [0], [0], [0, 0, 1, 0], [], []>, transpose_lhs_hint = false} : vector<160x128xf32>, vector<1000x128xf32>, vector<160x1000xf32> -> vector<160x1000xf32>
    %slice3A = vector.extract_strided_slice %dot_general3A_5 {offsets = [0, 0], sizes = [80, 1000], strides = [1, 1]} : vector<160x1000xf32> to vector<80x1000xf32>
    %slice3A_6 = vector.extract_strided_slice %slice3A {offsets = [0, 0], sizes = [8, 1000], strides = [1, 1]} : vector<80x1000xf32> to vector<8x1000xf32>
    %slice3A_7 = vector.extract_strided_slice %slice3A {offsets = [8, 0], sizes = [8, 1000], strides = [1, 1]} : vector<80x1000xf32> to vector<8x1000xf32>
    %slice3A_8 = vector.extract_strided_slice %slice3A {offsets = [16, 0], sizes = [8, 1000], strides = [1, 1]} : vector<80x1000xf32> to vector<8x1000xf32>
    %slice3A_9 = vector.extract_strided_slice %slice3A {offsets = [24, 0], sizes = [8, 1000], strides = [1, 1]} : vector<80x1000xf32> to vector<8x1000xf32>
    %slice3A_10 = vector.extract_strided_slice %slice3A {offsets = [32, 0], sizes = [8, 1000], strides = [1, 1]} : vector<80x1000xf32> to vector<8x1000xf32>
    %slice3A_11 = vector.extract_strided_slice %slice3A {offsets = [40, 0], sizes = [8, 1000], strides = [1, 1]} : vector<80x1000xf32> to vector<8x1000xf32>
    %slice3A_12 = vector.extract_strided_slice %slice3A {offsets = [48, 0], sizes = [8, 1000], strides = [1, 1]} : vector<80x1000xf32> to vector<8x1000xf32>
    %slice3A_13 = vector.extract_strided_slice %slice3A {offsets = [56, 0], sizes = [8, 1000], strides = [1, 1]} : vector<80x1000xf32> to vector<8x1000xf32>
    %slice3A_14 = vector.extract_strided_slice %slice3A {offsets = [64, 0], sizes = [8, 1000], strides = [1, 1]} : vector<80x1000xf32> to vector<8x1000xf32>
    %slice3A_15 = vector.extract_strided_slice %slice3A {offsets = [72, 0], sizes = [8, 1000], strides = [1, 1]} : vector<80x1000xf32> to vector<8x1000xf32>
    %mul3A = arith.mulf %slice3A_10, %slice3A_14 : vector<8x1000xf32>
    %mul3A_16 = arith.mulf %slice3A_11, %slice3A_13 : vector<8x1000xf32>
    %sub3A = arith.subf %mul3A, %mul3A_16 : vector<8x1000xf32>
    %mul3A_17 = arith.mulf %slice3A_6, %sub3A : vector<8x1000xf32>
    %mul3A_18 = arith.mulf %slice3A_9, %slice3A_14 : vector<8x1000xf32>
    %mul3A_19 = arith.mulf %slice3A_11, %slice3A_12 : vector<8x1000xf32>
    %sub3A_20 = arith.subf %mul3A_18, %mul3A_19 : vector<8x1000xf32>
    %mul3A_21 = arith.mulf %slice3A_7, %sub3A_20 : vector<8x1000xf32>
    %sub3A_22 = arith.subf %mul3A_17, %mul3A_21 : vector<8x1000xf32>
    %mul3A_23 = arith.mulf %slice3A_9, %slice3A_13 : vector<8x1000xf32>
    %mul3A_24 = arith.mulf %slice3A_10, %slice3A_12 : vector<8x1000xf32>
    %sub3A_25 = arith.subf %mul3A_23, %mul3A_24 : vector<8x1000xf32>
    %mul3A_26 = arith.mulf %slice3A_8, %sub3A_25 : vector<8x1000xf32>
    %add3A = arith.addf %sub3A_22, %mul3A_26 : vector<8x1000xf32>
    %mul3A_27 = arith.mulf %slice3A_15, %add3A : vector<8x1000xf32>
    %reduce_sum3A = arith.constant dense<0.000000e+00> : vector<1000xf32>
    %reduce_sum3A_28 = vector.multi_reduction <add>, %mul3A_27, %reduce_sum3A [0] : vector<8x1000xf32> to vector<1000xf32>
    %swap3A = arith.constant 0 : index
    %swap3A_29 = arith.constant 0 : index
    %swap3A_30 = arith.constant 0 : index
    %swap3A_31 = vector.load %arg3[%swap3A, %swap3A_29, %swap3A_30] : memref<1x2x1000xf32, #tpu.memory_space<vmem>>, vector<1x1x1000xf32>
    %swap3A_32 = vector.shape_cast %swap3A_31 : vector<1x1x1000xf32> to vector<1000xf32>
    %swap3A_33 = vector.shape_cast %reduce_sum3A_28 : vector<1000xf32> to vector<1x1x1000xf32>
    tpu.vector_store %arg3[%swap3A, %swap3A_29, %swap3A_30], %swap3A_33 {strides = array<i32>} : memref<1x2x1000xf32, #tpu.memory_space<vmem>>, vector<1x1x1000xf32>,
    %slice3A_34 = vector.extract_strided_slice %dot_general3A_5 {offsets = [80, 0], sizes = [80, 1000], strides = [1, 1]} : vector<160x1000xf32> to vector<80x1000xf32>
    %slice3A_35 = vector.extract_strided_slice %slice3A_34 {offsets = [0, 0], sizes = [8, 1000], strides = [1, 1]} : vector<80x1000xf32> to vector<8x1000xf32>
    %slice3A_36 = vector.extract_strided_slice %slice3A_34 {offsets = [8, 0], sizes = [8, 1000], strides = [1, 1]} : vector<80x1000xf32> to vector<8x1000xf32>
    %slice3A_37 = vector.extract_strided_slice %slice3A_34 {offsets = [16, 0], sizes = [8, 1000], strides = [1, 1]} : vector<80x1000xf32> to vector<8x1000xf32>
    %slice3A_38 = vector.extract_strided_slice %slice3A_34 {offsets = [24, 0], sizes = [8, 1000], strides = [1, 1]} : vector<80x1000xf32> to vector<8x1000xf32>
    %slice3A_39 = vector.extract_strided_slice %slice3A_34 {offsets = [32, 0], sizes = [8, 1000], strides = [1, 1]} : vector<80x1000xf32> to vector<8x1000xf32>
    %slice3A_40 = vector.extract_strided_slice %slice3A_34 {offsets = [40, 0], sizes = [8, 1000], strides = [1, 1]} : vector<80x1000xf32> to vector<8x1000xf32>
    %slice3A_41 = vector.extract_strided_slice %slice3A_34 {offsets = [48, 0], sizes = [8, 1000], strides = [1, 1]} : vector<80x1000xf32> to vector<8x1000xf32>
    %slice3A_42 = vector.extract_strided_slice %slice3A_34 {offsets = [56, 0], sizes = [8, 1000], strides = [1, 1]} : vector<80x1000xf32> to vector<8x1000xf32>
    %slice3A_43 = vector.extract_strided_slice %slice3A_34 {offsets = [64, 0], sizes = [8, 1000], strides = [1, 1]} : vector<80x1000xf32> to vector<8x1000xf32>
    %slice3A_44 = vector.extract_strided_slice %slice3A_34 {offsets = [72, 0], sizes = [8, 1000], strides = [1, 1]} : vector<80x1000xf32> to vector<8x1000xf32>
    %mul3A_45 = arith.mulf %slice3A_39, %slice3A_43 : vector<8x1000xf32>
    %mul3A_46 = arith.mulf %slice3A_40, %slice3A_42 : vector<8x1000xf32>
    %sub3A_47 = arith.subf %mul3A_45, %mul3A_46 : vector<8x1000xf32>
    %mul3A_48 = arith.mulf %slice3A_35, %sub3A_47 : vector<8x1000xf32>
    %mul3A_49 = arith.mulf %slice3A_38, %slice3A_43 : vector<8x1000xf32>
    %mul3A_50 = arith.mulf %slice3A_40, %slice3A_41 : vector<8x1000xf32>
    %sub3A_51 = arith.subf %mul3A_49, %mul3A_50 : vector<8x1000xf32>
    %mul3A_52 = arith.mulf %slice3A_36, %sub3A_51 : vector<8x1000xf32>
    %sub3A_53 = arith.subf %mul3A_48, %mul3A_52 : vector<8x1000xf32>
    %mul3A_54 = arith.mulf %slice3A_38, %slice3A_42 : vector<8x1000xf32>
    %mul3A_55 = arith.mulf %slice3A_39, %slice3A_41 : vector<8x1000xf32>
    %sub3A_56 = arith.subf %mul3A_54, %mul3A_55 : vector<8x1000xf32>
    %mul3A_57 = arith.mulf %slice3A_37, %sub3A_56 : vector<8x1000xf32>
    %add3A_58 = arith.addf %sub3A_53, %mul3A_57 : vector<8x1000xf32>
    %mul3A_59 = arith.mulf %slice3A_44, %add3A_58 : vector<8x1000xf32>
    %reduce_sum3A_60 = arith.constant dense<0.000000e+00> : vector<1000xf32>
    %reduce_sum3A_61 = vector.multi_reduction <add>, %mul3A_59, %reduce_sum3A_60 [0] : vector<8x1000xf32> to vector<1000xf32>
    %swap3A_62 = arith.constant 0 : index
    %swap3A_63 = arith.constant 1 : index
    %swap3A_64 = arith.constant 0 : index
    %swap3A_65 = vector.load %arg3[%swap3A_62, %swap3A_63, %swap3A_64] : memref<1x2x1000xf32, #tpu.memory_space<vmem>>, vector<1x1x1000xf32>
    %swap3A_66 = vector.shape_cast %swap3A_65 : vector<1x1x1000xf32> to vector<1000xf32>
    %swap3A_67 = vector.shape_cast %reduce_sum3A_61 : vector<1000xf32> to vector<1x1x1000xf32>
    tpu.vector_store %arg3[%swap3A_62, %swap3A_63, %swap3A_64], %swap3A_67 {strides = array<i32>} : memref<1x2x1000xf32, #tpu.memory_space<vmem>>, vector<1x1x1000xf32>,
    return
  }
  func.func @transform_0(%arg0: i32) -> (i32, i32) {
    %c0_i32 = arith.constant 0 : i32
    %c0_i32_0 = arith.constant 0 : i32
    %c0_i32_1 = arith.constant 0 : i32
    return %c0_i32, %c0_i32_0 : i32, i32
  }
  func.func @transform_1(%arg0: i32) -> (i32, i32) {
    %c0_i32 = arith.constant 0 : i32
    %c0_i32_0 = arith.constant 0 : i32
    return %arg0, %c0_i32 : i32, i32
  }
  func.func @transform_2(%arg0: i32) -> (i32, i32, i32) {
    %c0_i32 = arith.constant 0 : i32
    %c0_i32_0 = arith.constant 0 : i32
    %c0_i32_1 = arith.constant 0 : i32
    return %arg0, %c0_i32, %c0_i32_0 : i32, i32, i32
  }
}

</mosaic_0001>

<sc_bundles>
// kernel: kernel.4.cloned.1.call-start
scs
__scs_entry_jumppad:
0x0: {  	(pc) =	sbr.rel $0x88, $3  }
0x1: {  	(tag) =	ssettag $0x0;
	lr =	simm.s32 $0x1  }
0x2: {  	[smem:$0x3F9E] =	sst lr;
	_ =	strace $0xD0000000  }
0x3: {  	_ = 	snop  }
0x4: {  	_ = 	snop  }
0x5: {  	_ = 	snop  }
0x6: {  	_ = 	snop  }
0x7: {  	_ = 	snop  }
__scs_overlays_trampoline_lowered:
0x8: {  	[smem:$0x3FAD] =	sst s0  }
0x9: {  	[smem:$0x3FAE] =	sst s1  }
0xa: {  	[smem:$0x3FAF] =	sst s2  }
0xb: {  	[smem:$0x3FB0] =	sst s3  }
0xc: {  	[smem:$0x3FB1] =	sst s4  }
0xd: {  	[smem:$0x3FB2] =	sst s5  }
0xe: {  	[smem:$0x3FB3] =	sst s6  }
0xf: {  	[smem:$0x3FB4] =	sst s7  }
0x10: {  	[smem:$0x3FB5] =	sst s8  }
0x11: {  	[smem:$0x3FB6] =	sst s9;
	s0 =	simm.s32 @!p0 $0x0  }
0x12: {  	s1 =	sld [smem:$0x3F9C];
	s0 =	simm.s32 @p0 $0x1  }
0x13: {  	[smem:$0x3FB7] =	sst s0;
	s0 =	simm.s32 @!p1 $0x0  }
0x14: {  	s2 =	sld [smem:$0x3F9B];
	s0 =	simm.s32 @p1 $0x1  }
0x15: {  	[smem:$0x3FB8] =	sst s0;
	s0 =	simm.s32 @!p2 $0x0  }
0x16: {  	s3 =	sld [smem:$0x3FDB];
	s0 =	simm.s32 @p2 $0x1  }
0x17: {  	s4 =	simm.s32 $0x1BF5;
	[smem:$0x3FBA] =	sst s0  }
0x18: {  	s0 =	sld [smem:$0x3F9D];
	_ =	swait.ge [sflag:s4], $0x0  }
0x19: {  	s7 =	sld [smem:$0x3F9E]  }
0x1a: {  	s8 =	sadd.s32 $0xFFFFE003, lr  }
0x1b: {  	s9 =	sadd.s32 $0xFFFFFEF7, lr;
	s5 =	simm.s32 $0xFFFFFFFF;
	p2 =	slt.u32 s8, $0xFFFFF086  }
0x1c: {  	p1 =	slt.u32 s9, $0xF7A;
	s5 =	simm.s32 @!p2 $0x0  }
0x1d: {  	s5 =	simm.s32 @p1 $0x1;
	p0 =	seq.s32 s7, s2  }
0x1e: {  	s7 =	smul.u32 @!p0 $0xF7A, s2;
	p2 =	seq.s32 @!p0 s5, $0x0  }
0x1f: {  	s9 =	smul.u32 $0xF7A, s1;
	s8 =	simm.s32 @!p0 $0x1BF5;
	p2 =	por !p2, p0  }
0x20: {  	[sflag:s8] =	ssyncset.s32 @!p0 $0xFFFFF086;
	s6 =	sadd.s32 @!p0 s3, s7;
	s7 =	simm.s32 @!p0 $0x108  }
0x21: {  	s3 =	sadd.s32 s3, s9;
	s6 =	sadd.s32 @!p0 $0x88, s6;
	s7 =	simm.s32 @p2 $0x1082  }
0x22: {  	[simem:s7], [sflag:s8] =	dma.local @!p0 [hbm:s6], $0xF7A  }
0x23: {  	s9 =	sor.u32 $0xD0000000, s2;
	s6 =	simm.s32 $0x108;
	_ =	swait.ge @!p0 [sflag:s8], $0x0  }
0x24: {  	s3 =	sadd.s32 $0x88, s3;
	s6 =	simm.s32 @!p1 $0x1082;
	[sflag:s4] =	ssyncset.s32 $0xFFFFF086  }
0x25: {  	[simem:s6], [sflag:s4] =	dma.local [hbm:s3], $0xF7A  }
0x26: {  	[smem:$0x3F9E] =	sst s1;
	(tag) =	ssettag s2;
	_ =	strace s9  }
0x27: {  	s1 =	sld [smem:$0x3FAE]  }
0x28: {  	s2 =	sld [smem:$0x3FAF]  }
0x29: {  	s4 =	sld [smem:$0x3FB1]  }
0x2a: {  	p0 =	seq.s32 s5, $0x0;
	s5 =	sld [smem:$0x3FB2]  }
0x2b: {  	s6 =	sld [smem:$0x3FB3]  }
0x2c: {  	s7 =	sld [smem:$0x3FB4]  }
0x2d: {  	s3 =	simm.s32 $0x108;
	s8 =	sld [smem:$0x3FB5]  }
0x2e: {  	s3 =	simm.s32 @!p0 $0x1082;
	s9 =	sld [smem:$0x3FB6]  }
0x2f: {  	lr =	sadd.s32 s0, s3;
	s0 =	sld [smem:$0x3FAD]  }
0x30: {  	s3 =	sld [smem:$0x3FB0]  }
0x31: {  	[smem:$0x3FB9] =	sst s10  }
0x32: {  	s10 =	sld [smem:$0x3FB7];
	_ =	sdelay $0x3  }
0x33: {  	p0 =	seq.s32 s10, $0x1;
	s10 =	sld [smem:$0x3FB9];
	_ =	sdelay $0x3  }
0x34: {  	[smem:$0x3FB9] =	sst s10  }
0x35: {  	s10 =	sld [smem:$0x3FB8];
	_ =	sdelay $0x3  }
0x36: {  	p1 =	seq.s32 s10, $0x1;
	s10 =	sld [smem:$0x3FB9];
	_ =	sdelay $0x3  }
0x37: {  	[smem:$0x3FB9] =	sst s10  }
0x38: {  	s10 =	sld [smem:$0x3FBA]  }
0x39: {  	_ = 	snop;
	(pc) =	sbr.ind lr, $3  }
0x3a: {  	_ = 	snop  }
0x3b: {  	_ = 	snop  }
0x3c: {  	p2 =	seq.s32 s10, $0x1;
	s10 =	sld [smem:$0x3FB9]  }
0x3d: {  	_ =	shalt  }
0x3e: {  	_ =	shalt  }
0x3f: {  	_ =	shalt  }
0x40: {  	_ =	shalt  }
0x41: {  	_ =	shalt  }
0x42: {  	_ =	shalt  }
0x43: {  	_ =	shalt  }
0x44: {  	_ =	shalt  }
0x45: {  	_ =	shalt  }
0x46: {  	_ =	shalt  }
0x47: {  	_ =	shalt  }
0x48: {  	_ =	shalt  }
0x49: {  	_ =	shalt  }
0x4a: {  	_ =	shalt  }
0x4b: {  	_ =	shalt  }
0x4c: {  	_ =	shalt  }
0x4d: {  	_ =	shalt  }
0x4e: {  	_ =	shalt  }
0x4f: {  	_ =	shalt  }
0x50: {  	_ =	shalt  }
0x51: {  	_ =	shalt  }
0x52: {  	_ =	shalt  }
0x53: {  	_ =	shalt  }
0x54: {  	_ =	shalt  }
0x55: {  	_ =	shalt  }
0x56: {  	_ =	shalt  }
0x57: {  	_ =	shalt  }
0x58: {  	_ =	shalt  }
0x59: {  	_ =	shalt  }
0x5a: {  	_ =	shalt  }
0x5b: {  	_ =	shalt  }
0x5c: {  	_ =	shalt  }
0x5d: {  	_ =	shalt  }
0x5e: {  	_ =	shalt  }
0x5f: {  	_ =	shalt  }
0x60: {  	_ =	shalt  }
0x61: {  	_ =	shalt  }
0x62: {  	_ =	shalt  }
0x63: {  	_ =	shalt  }
0x64: {  	_ =	shalt  }
0x65: {  	_ =	shalt  }
0x66: {  	_ =	shalt  }
0x67: {  	_ =	shalt  }
0x68: {  	_ =	shalt  }
0x69: {  	_ =	shalt  }
0x6a: {  	_ =	shalt  }
0x6b: {  	_ =	shalt  }
0x6c: {  	_ =	shalt  }
0x6d: {  	_ =	shalt  }
0x6e: {  	_ =	shalt  }
0x6f: {  	_ =	shalt  }
0x70: {  	_ =	shalt  }
0x71: {  	_ =	shalt  }
0x72: {  	_ =	shalt  }
0x73: {  	_ =	shalt  }
0x74: {  	_ =	shalt  }
0x75: {  	_ =	shalt  }
0x76: {  	_ =	shalt  }
0x77: {  	_ =	shalt  }
0x78: {  	_ =	shalt  }
0x79: {  	_ =	shalt  }
0x7a: {  	_ =	shalt  }
0x7b: {  	_ =	shalt  }
0x7c: {  	_ =	shalt  }
0x7d: {  	_ =	shalt  }
0x7e: {  	_ =	shalt  }
0x7f: {  	_ =	shalt  }
0x80: {  	_ =	shalt  }
0x81: {  	_ =	shalt  }
0x82: {  	_ =	shalt  }
0x83: {  	_ =	shalt  }
0x84: {  	_ =	shalt  }
0x85: {  	_ =	shalt  }
0x86: {  	_ =	shalt  }
0x87: {  	_ =	shalt  }
.Lfunc_end0:
.L_simem_size_0:
called_computation_lowered:
.L_overlay_start_0:
0x88: {  	s2 =	sld [smem:$0x3FD9]  }
0x89: {  	s3 =	sld [smem:$0x3FFE];
	_ =	sdelay $0x1  }
0x8a: {  	s1 =	srdreg.scid  }
0x8b: {  	s0 =	sand.u32 $0x1, s1  }
0x8c: {  	s16 =	sshll.u32 s0, $0xA;
	s2 =	sadd.s32 s3, s2  }
0x8d: {  	s2 =	sadd.s32 s2, s16  }
0x8e: {  	[smem:$0x3FC5] =	sst s2  }
0x8f: {  	_ = 	snop  }
0x90: {  	(tm) =	ssettm $0x1  }
0x91: {  	s17 =	sld [smem:$0x3FFB];
	_ =	sdelay $0x3  }
0x92: {  	_ =	strace s17  }
0x93: {  	s2 =	sld [smem:$0x3FFC];
	_ =	sdelay $0x3  }
0x94: {  	_ =	strace s2  }
0x95: {  	s2 =	sld [smem:$0x3FFD];
	_ =	sdelay $0x3  }
0x96: {  	_ =	strace s2  }
0x97: {  	_ =	strace $0x8FFFFFFF  }
0x98: {  	s18 =	sld [smem:$0x3FDB];
	_ =	sdelay $0x1  }
0x99: {  	s19 =	simm.s32 $_scs_section_size  }
0x9a: {  	s4 =	simm.s32 $_size__tile_overlayer_lowered;
	s5 =	simm.s32 $_tile_overlayer_lowered  }
0x9b: {  	s22 =	simm.s32 $0x1BFF;
	s21 =	sshll.u32 s5, $0x1;
	s2 =	sadd.s32 s19, s18  }
0x9c: {  	s6 =	simm.s32 $0x0;
	s20 =	sshll.u32 s4, $0x1;
	s4 =	sadd.s32 s21, s2  }
0x9d: {  	[timem:s6], [sflag:s22] =	dma.local [hbm:s4], s20  }
0x9e: {  	_ =	swait.ge [sflag:s22], s20  }
0x9f: {  	s3 =	ssub.s32 $0x0, s20;
	[sflag:s22] =	ssyncset.done $0x0  }
0xa0: {  	[sflag:s22] =	ssyncadd.s32 s3;
	_ =	sdelay $0x1  }
0xa1: {  	s23 =	simm.s32 $0x1B8B  }
0xa2: {  	_ =	swait.ge [sflag:s23], $0x1  }
0xa3: {  	[sflag:s23] =	ssyncset.done $0x0  }
0xa4: {  	s25 =	simm.s32 $0x1B8E;
	s24 =	sld [smem:$0x3FFE];
	[sflag:s23] =	ssyncadd.s32 $0xFFFFFFFF  }
0xa5: {  	s26 =	simm.s32 $execute0_lowered;
	[smem:$0x3FD2] =	sst s25  }
0xa6: {  	s4 =	sshll.u32 s26, $0x1;
	_ =	strace $0x80000046;
	[dreg:$0x1] =	wrdreg $0xFFFFFFFF  }
0xa7: {  	s28 =	simm.s32 $_size_execute0_lowered;
	s2 =	sadd.s32 s2, s4;
	[dreg:$0x0] =	wrdreg $0x0  }
0xa8: {  	s4 =	sshll.u32 s28, $0x1;
	[dreg:$0x2] =	wrdreg s2  }
0xa9: {  	[dreg:$0x3] =	wrdreg s4  }
0xaa: {  	[dreg:$0x4] =	wrdreg $0xC0  }
0xab: {  	_ =	task [dreg:s6], $0x5FFFF  }
0xac: {  	[dreg:$0x1] =	wrdreg $0xFFFFFFFF  }
0xad: {  	[dreg:$0x0] =	wrdreg $0x60  }
0xae: {  	[dreg:$0x2] =	wrdreg s24  }
0xaf: {  	[dreg:$0x3] =	wrdreg $0x9  }
0xb0: {  	_ =	task.clear_ibuf [dreg:s6], $0x4FFFF;
	_ =	strace $0x90000046  }
0xb1: {  	s29 =	simm.s32 $0x9;
	_ =	strace $0x80000048  }
0xb2: {  	_ =	swait.ge [sflag:s29], $0x1  }
0xb3: {  	[sflag:s29] =	ssyncadd.s32 $0xFFFFFFFF  }
0xb4: {  	_ =	strace $0x90000048  }
0xb5: {  	_ =	sfence  }
0xb6: {  	s30 =	sld [smem:$0x0];
	_ =	sdelay $0x2  }
0xb7: {  	s31 =	sshll.u32 s1, $0xD;
	s1 =	sshrl.u32 s1, $0x2  }
0xb8: {  	s3 =	sand.u32 $0x4000, s31;
	s1 =	sadd.s32 s1, s30  }
0xb9: {  	s0 =	sor.u32 s3, s0;
	s1 =	sshll.u32 s1, $0x11  }
0xba: {  	s0 =	sor.u32 s1, s0  }
0xbb: {  	s0 =	sadd.s32 $0x8F2B, s0  }
0xbc: {  	[sflag:s0] =	ssyncadd.remote.s32 $0x1  }
0xbd: {  	_ =	sfence.sel $0xFFFF  }
0xbe: {  	[dreg:$0x0] =	wrdreg $0xFFFFFFFF;
	(pc) =	sbr.abs _section_cstart, $3  }
0xbf: {  	[dreg:$0x1] =	wrdreg $0xFFFFFFFF  }
0xc0: {  	_ =	task.clear_ibuf [dreg:s6], $0x2FFFF;
	_ =	strace $0x9FFFFFFF  }
0xc1: {  	(tm) =	ssettm $0x7FFFFFFF  }
tec
execute0_lowered:
.L_overlay_start_1:
0x0: {  	(tag) =	ssettag $0x1  }
0x1: {  	s0 =	rddreg [dreg:$0x0]  }
0x2: {  	s1 =	srdreg.scid;
	s3 =	stileid.u32  }
0x3: {  	s2 =	simm.s32 $0x0;
	s15 =	simm.s32 $0x11940;
	s16 =	simm.s32 $0x9  }
0x4: {  	s17 =	simm.s32 $0x11D28;
	s18 =	simm.s32 $0x7D0;
	s19 =	simm.s32 $0x1F40  }
0x5: {  	s20 =	simm.s32 $0x5DC0;
	s21 =	simm.s32 $0xFA0;
	s22 =	simm.s32 $0x9C40  }
0x6: {  	s23 =	simm.s32 $0x1;
	s24 =	simm.s32 $0x1770;
	s25 =	simm.s32 $0xDAC0  }
0x7: {  	s28 =	simm.s32 $0x5;
	s29 =	simm.s32 $0x3;
	s1 =	sand.u32 $0x1, s1  }
0x8: {  	s3 =	sshll.u32 s3, $0x1;
	[smem:$0x7FF] =	sst s2;
	s5 =	sadd.s32 $0x30DE00, s0  }
0x9: {  	s6 =	sadd.s32 $0xCE00, s0;
	s7 =	sor.u32 s1, s3;
	s1 =	ssub.s32 $0x2, s1  }
0xa: {  	_ =	strace $0x80000047;
	s4 =	smul.u32 $0x61A8, s7;
	s26 =	sshrl.u32 s1, $0x1  }
0xb: {  	s3 =	sadd.s32 $0xA00, s0;
	s8 =	smul.u32 $0x61A80, s7;
	s0 =	ssub.s32 s1, s26  }
0xc: {  	s7 =	smul.u32 $0xC350, s7;
	s9 =	sshrl.u32 s4, $0x3;
	s0 =	smax.u32 s0, $0x1  }
0xd: {  	s8 =	sshrl.u32 s8, $0x3;
	s9 =	sadd.s32 s5, s9;
	[dreg:$0x6] =	wrdreg s0  }
0xe: {  	s31 =	sadd.s32 s6, s8;
	[dreg:$0x2] =	wrdreg s9;
	s30 =	sadd.s32 $0x186A0, s9  }
0xf: {  	s26 =	simm.s32 $0x2;
	s8 =	sadd.s32 $0xB3B0, s31;
	[dreg:$0x3] =	wrdreg s30  }
0x10: {  	v0 =	vlaneseq.u32;
	s10 =	sadd.s32 $0x1FFFF060, s7;
	s1 =	sadd.s32 $0xBB80, s31;
	[dreg:$0x4] =	wrdreg s8  }
0x11: {  	vm0 =	vmmov $0xff;
	v0 =	vand.u32 $0x7, v0;
	s11 =	sadd.s32 $0xFA0, s7;
	s9 =	simm.s32 $0x0;
	[dreg:$0x5] =	wrdreg s1  }
.LBB2_1:
0x12: {  	v1 =	vmov s2  }
0x13: {  	s0 =	rddreg [dreg:$0x2];
	v1 =	vshrl.u32 v1, $0x3  }
0x14: {  	[tilespmem:s15], [sflag:$0x9] =	stream.linear.gather [hbm4b:s0+s2], $0x3E8, $0x38;
	v1 =	vshll.u32 v1, $0x3;
	[tilespmem:$0x12110] =	vst v63  }
0x15: {  	_ =	swait.ge [sflag:s16], $0x3E8;
	v1 =	vbroadcast v1, $0x0  }
0x16: {  	[sflag:s16] =	ssyncset.done $0x0  }
0x17: {  	s30 =	rddreg [dreg:$0x3];
	[sflag:s16] =	ssyncadd.s32 $0xFFFFFC18;
	v1 =	vor.u32 v0, v1  }
0x18: {  	[tilespmem:s17], [sflag:$0x9] =	stream.linear.gather [hbm4b:s30+s2], $0x3E8, $0x38;
	[tilespmem:$0x12110] =	vst v63  }
0x19: {  	s8 =	simm.s32 $0x8;
	_ =	swait.ge [sflag:s16], $0x3E8  }
0x1a: {  	v2 =	vmov s8;
	[sflag:s16] =	ssyncset.done $0x0  }
0x1b: {  	v2 =	vshrl.u32 v2, $0x3;
	[sflag:s16] =	ssyncadd.s32 $0xFFFFFC18  }
0x1c: {  	v2 =	vshll.u32 v2, $0x3;
	v3 =	vld.idx.msk [tilespmem:v1+s17+$0x0], $0xffff  }
0x1d: {  	v4 =	vld.idx.msk [tilespmem:v1+s15+$0x0], $0xffff;
	v1 =	vbroadcast v2, $0x0;
	_ =	sdelay $0x1  }
0x1e: {  	v1 =	vor.u32 v0, v1;
	_ =	sdelay $0x2  }
0x1f: {  	s31 =	simm.s32 $0x10;
	v2 =	vsel vm0, v4, v3  }
0x20: {  	v3 =	vmov s31;
	[tilespmem:s2+$0x0] =	vst v2  }
0x21: {  	s12 =	simm.s32 $0x18;
	s8 =	simm.s32 $0x0;
	v3 =	vshrl.u32 v3, $0x3;
	v2 =	vld.idx.msk [tilespmem:v1+s17+$0x0], $0xffff  }
.LBB2_2:
0x22: {  	p0 =	sne.s32 s12, $0x3E0;
	v3 =	vshll.u32 v3, $0x3;
	v4 =	vld.idx.msk [tilespmem:v1+s15+$0x0], $0xffff  }
0x23: {  	v1 =	vbroadcast v3, $0x0;
	_ =	sdelay $0x1  }
0x24: {  	v1 =	vor.u32 v0, v1  }
.Ltmp0:
0x25: {  	(pc) =	sbr.rel @p0 .LBB2_2-.Ltmp0, $4  }
0x26: {  	_ = 	snop  }
0x27: {  	s8 =	sadd.s32 $0x10, s8;
	v2 =	vsel vm0, v4, v2  }
0x28: {  	v3 =	vmov s12;
	[tilespmem:s8+$0x0] =	vst v2  }
0x29: {  	s12 =	sadd.s32 $0x8, s12;
	v3 =	vshrl.u32 v3, $0x3;
	v2 =	vld.idx.msk [tilespmem:v1+s17+$0x0], $0xffff  }
0x2a: {  	_ =	sdelay $0x2  }
0x2b: {  	v3 =	vshll.u32 v3, $0x3  }
0x2c: {  	v1 =	vld.idx.msk [tilespmem:v1+s15+$0x0], $0xffff;
	v3 =	vbroadcast v3, $0x0;
	_ =	sdelay $0x1  }
0x2d: {  	v3 =	vor.u32 v0, v3;
	_ =	sdelay $0x2  }
0x2e: {  	s8 =	sadd.s32 $0x10, s8;
	v1 =	vsel vm0, v1, v2  }
0x2f: {  	[tilespmem:s8+$0x0] =	vst v1  }
0x30: {  	v1 =	vld.idx.msk [tilespmem:v3+s17+$0x0], $0xffff  }
0x31: {  	v2 =	vld.idx.msk [tilespmem:v3+s15+$0x0], $0xffff;
	_ =	sdelay $0x4  }
0x32: {  	s8 =	sadd.s32 $0x10, s8;
	v1 =	vsel vm0, v2, v1  }
0x33: {  	s12 =	simm.s32 $0x0;
	s13 =	simm.s32 $0x0;
	[tilespmem:s8+$0x0] =	vst v1  }
0x34: {  	[tilespmem:s19], [sflag:$0x1] =	stream.indirect.gather [hbm4b:s3+s18], $0x8, s12, s18, $0xb8;
	[tilespmem:$0x12110] =	vst v63  }
.LBB2_4:
0x35: {  	s14 =	sshll.u32 s13, $0x2  }
0x36: {  	s8 =	sor.u32 $0x1, s14  }
0x37: {  	p0 =	seq.s32 s13, $0x0;
	s30 =	smul.u32 $0x3E8, s8  }
0x38: {  	s31 =	simm.s32 @!p0 $0x6  }
0x39: {  	_ =	swait.ge @!p0 [sflag:s31], $0x3E80;
	s30 =	sadd.s32 s4, s30  }
0x3a: {  	v1 =	vmov s12;
	[sflag:s31] =	ssyncset.done @!p0 $0x0;
	s30 =	sshrl.u32 s30, $0x3  }
0x3b: {  	v1 =	vshrl.u32 v1, $0x3;
	[sflag:s31] =	ssyncadd.s32 @!p0 $0xFFFFC180;
	s30 =	sadd.s32 s5, s30  }
0x3c: {  	v1 =	vshll.u32 v1, $0x3;
	[tilespmem:s15], [sflag:$0x9] =	stream.linear.gather [hbm4b:s30+s12], $0x3E8, $0x38;
	[tilespmem:$0x12110] =	vst v63  }
0x3d: {  	v1 =	vbroadcast v1, $0x0;
	_ =	swait.ge [sflag:s16], $0x3E8  }
0x3e: {  	[sflag:s16] =	ssyncset.done $0x0  }
0x3f: {  	v1 =	vor.u32 v0, v1;
	s30 =	sadd.s32 $0x186A0, s30;
	[sflag:s16] =	ssyncadd.s32 $0xFFFFFC18  }
0x40: {  	[tilespmem:s17], [sflag:$0x9] =	stream.linear.gather [hbm4b:s30+s12], $0x3E8, $0x38;
	[tilespmem:$0x12110] =	vst v63  }
0x41: {  	s30 =	simm.s32 $0x8;
	_ =	swait.ge [sflag:s16], $0x3E8  }
0x42: {  	v2 =	vmov s30;
	[sflag:s16] =	ssyncset.done $0x0  }
0x43: {  	v2 =	vshrl.u32 v2, $0x3;
	[sflag:s16] =	ssyncadd.s32 $0xFFFFFC18  }
0x44: {  	v2 =	vshll.u32 v2, $0x3;
	v3 =	vld.idx.msk [tilespmem:v1+s17+$0x0], $0xffff  }
0x45: {  	v4 =	vld.idx.msk [tilespmem:v1+s15+$0x0], $0xffff;
	v1 =	vbroadcast v2, $0x0;
	_ =	sdelay $0x1  }
0x46: {  	v1 =	vor.u32 v0, v1;
	_ =	sdelay $0x2  }
0x47: {  	s31 =	simm.s32 $0x10;
	s30 =	simm.s32 $0x7D0;
	v2 =	vsel vm0, v4, v3  }
0x48: {  	v3 =	vmov s31;
	[tilespmem:s30+$0x0] =	vst v2  }
0x49: {  	s8 =	smul.u32 $0x7D0, s8;
	s31 =	simm.s32 $0x18;
	v3 =	vshrl.u32 v3, $0x3;
	v2 =	vld.idx.msk [tilespmem:v1+s17+$0x0], $0xffff  }
.LBB2_5:
0x4a: {  	p1 =	sne.s32 s31, $0x3E0;
	v3 =	vshll.u32 v3, $0x3;
	v4 =	vld.idx.msk [tilespmem:v1+s15+$0x0], $0xffff  }
0x4b: {  	v1 =	vbroadcast v3, $0x0;
	_ =	sdelay $0x1  }
0x4c: {  	v1 =	vor.u32 v0, v1  }
.Ltmp1:
0x4d: {  	(pc) =	sbr.rel @p1 .LBB2_5-.Ltmp1, $4  }
0x4e: {  	_ = 	snop  }
0x4f: {  	s30 =	sadd.s32 $0x10, s30;
	v2 =	vsel vm0, v4, v2  }
0x50: {  	v3 =	vmov s31;
	[tilespmem:s30+$0x0] =	vst v2  }
0x51: {  	s31 =	sadd.s32 $0x8, s31;
	v3 =	vshrl.u32 v3, $0x3;
	v2 =	vld.idx.msk [tilespmem:v1+s17+$0x0], $0xffff  }
0x52: {  	_ =	sdelay $0x2  }
0x53: {  	v3 =	vshll.u32 v3, $0x3  }
0x54: {  	v1 =	vld.idx.msk [tilespmem:v1+s15+$0x0], $0xffff;
	v3 =	vbroadcast v3, $0x0;
	_ =	sdelay $0x1  }
0x55: {  	v3 =	vor.u32 v0, v3;
	_ =	sdelay $0x2  }
0x56: {  	s30 =	sadd.s32 $0x10, s30;
	v1 =	vsel vm0, v1, v2  }
0x57: {  	[tilespmem:s30+$0x0] =	vst v1  }
0x58: {  	v1 =	vld.idx.msk [tilespmem:v3+s17+$0x0], $0xffff  }
0x59: {  	v2 =	vld.idx.msk [tilespmem:v3+s15+$0x0], $0xffff;
	_ =	sdelay $0x4  }
0x5a: {  	s30 =	sadd.s32 $0x10, s30;
	v1 =	vsel vm0, v2, v1  }
0x5b: {  	[tilespmem:s30+$0x0] =	vst v1;
	s30 =	simm.s32 @!p0 $0x4  }
0x5c: {  	[tilespmem:s20], [sflag:$0x2] =	stream.indirect.gather [hbm4b:s3+s18], $0x8, s18, s18, $0xb8;
	[tilespmem:$0x12110] =	vst v63  }
0x5d: {  	_ =	swait.ge @!p0 [sflag:s30], $0x3E80  }
0x5e: {  	s8 =	sadd.s32 @!p0 s8, s10;
	s31 =	simm.s32 @!p0 $0x0;
	[sflag:s30] =	ssyncset.done @!p0 $0x0  }
0x5f: {  	s8 =	sand.u32 @!p0 $0x1FFFFFF0, s8;
	[sflag:s30] =	ssyncadd.s32 @!p0 $0xFFFFC180;
	s30 =	sor.u32 @!p0 $0x2, s14  }
0x60: {  	s0 =	simm.s32 @!p0 $0xDAC0;
	s8 =	sadd.s32 @!p0 s6, s8;
	s1 =	smul.u32 @!p0 $0x3E8, s30  }
0x61: {  	[hbm4b:s8+s31] =	stream.linear.scatter @!p0 [tilespmem:s0], [sflag:$0x8], $0x3E80, $0x38;
	[tilespmem:$0x12110] =	vst v63  }
0x62: {  	s0 =	simm.s32 @!p0 $0x7;
	s1 =	simm.s32 @p0 $0x7D0  }
0x63: {  	s8 =	simm.s32 $0x0;
	_ =	swait.ge @!p0 [sflag:s0], $0x3E80;
	s1 =	sadd.s32 s4, s1  }
0x64: {  	v1 =	vmov s8;
	[sflag:s0] =	ssyncset.done @!p0 $0x0;
	s1 =	sshrl.u32 s1, $0x3  }
0x65: {  	v1 =	vshrl.u32 v1, $0x3;
	[sflag:s0] =	ssyncadd.s32 @!p0 $0xFFFFC180;
	s1 =	sadd.s32 s5, s1  }
0x66: {  	v1 =	vshll.u32 v1, $0x3;
	[tilespmem:s15], [sflag:$0x9] =	stream.linear.gather [hbm4b:s1+s8], $0x3E8, $0x38;
	[tilespmem:$0x12110] =	vst v63  }
0x67: {  	v1 =	vbroadcast v1, $0x0;
	_ =	swait.ge [sflag:s16], $0x3E8  }
0x68: {  	[sflag:s16] =	ssyncset.done $0x0  }
0x69: {  	s0 =	sadd.s32 $0x186A0, s1;
	v1 =	vor.u32 v0, v1;
	[sflag:s16] =	ssyncadd.s32 $0xFFFFFC18  }
0x6a: {  	[tilespmem:s17], [sflag:$0x9] =	stream.linear.gather [hbm4b:s0+s8], $0x3E8, $0x38;
	[tilespmem:$0x12110] =	vst v63  }
0x6b: {  	s8 =	simm.s32 $0x8;
	_ =	swait.ge [sflag:s16], $0x3E8  }
0x6c: {  	v2 =	vmov s8;
	[sflag:s16] =	ssyncset.done $0x0  }
0x6d: {  	v2 =	vshrl.u32 v2, $0x3;
	[sflag:s16] =	ssyncadd.s32 $0xFFFFFC18  }
0x6e: {  	v2 =	vshll.u32 v2, $0x3;
	v3 =	vld.idx.msk [tilespmem:v1+s17+$0x0], $0xffff  }
0x6f: {  	v4 =	vld.idx.msk [tilespmem:v1+s15+$0x0], $0xffff;
	v1 =	vbroadcast v2, $0x0;
	_ =	sdelay $0x1  }
0x70: {  	v1 =	vor.u32 v0, v1;
	_ =	sdelay $0x1  }
0x71: {  	s0 =	smul.u32 @!p0 $0x7D0, s30  }
0x72: {  	s1 =	simm.s32 $0x10;
	s30 =	simm.s32 $0xFA0;
	v2 =	vsel vm0, v4, v3  }
0x73: {  	s8 =	sadd.s32 @!p0 s7, s0;
	v3 =	vmov s1;
	[tilespmem:s30+$0x0] =	vst v2  }
0x74: {  	s31 =	simm.s32 $0x18;
	s8 =	smov.u32 @p0 s11;
	v3 =	vshrl.u32 v3, $0x3;
	v2 =	vld.idx.msk [tilespmem:v1+s17+$0x0], $0xffff  }
.LBB2_7:
0x75: {  	p1 =	sne.s32 s31, $0x3E0;
	v3 =	vshll.u32 v3, $0x3;
	v4 =	vld.idx.msk [tilespmem:v1+s15+$0x0], $0xffff  }
0x76: {  	v1 =	vbroadcast v3, $0x0;
	_ =	sdelay $0x1  }
0x77: {  	v1 =	vor.u32 v0, v1  }
.Ltmp2:
0x78: {  	(pc) =	sbr.rel @p1 .LBB2_7-.Ltmp2, $4  }
0x79: {  	_ = 	snop  }
0x7a: {  	s30 =	sadd.s32 $0x10, s30;
	v2 =	vsel vm0, v4, v2  }
0x7b: {  	v3 =	vmov s31;
	[tilespmem:s30+$0x0] =	vst v2  }
0x7c: {  	s31 =	sadd.s32 $0x8, s31;
	v3 =	vshrl.u32 v3, $0x3;
	v2 =	vld.idx.msk [tilespmem:v1+s17+$0x0], $0xffff  }
0x7d: {  	_ =	sdelay $0x2  }
0x7e: {  	v3 =	vshll.u32 v3, $0x3  }
0x7f: {  	v1 =	vld.idx.msk [tilespmem:v1+s15+$0x0], $0xffff;
	v3 =	vbroadcast v3, $0x0;
	_ =	sdelay $0x1  }
0x80: {  	v3 =	vor.u32 v0, v3;
	_ =	sdelay $0x2  }
0x81: {  	s0 =	sadd.s32 $0x10, s30;
	v1 =	vsel vm0, v1, v2  }
0x82: {  	[tilespmem:s0+$0x0] =	vst v1  }
0x83: {  	v1 =	vld.idx.msk [tilespmem:v3+s17+$0x0], $0xffff  }
0x84: {  	v2 =	vld.idx.msk [tilespmem:v3+s15+$0x0], $0xffff;
	_ =	sdelay $0x4  }
0x85: {  	s0 =	sadd.s32 $0x10, s0;
	v1 =	vsel vm0, v2, v1  }
0x86: {  	[tilespmem:s0+$0x0] =	vst v1  }
0x87: {  	[tilespmem:s22], [sflag:$0x3] =	stream.indirect.gather [hbm4b:s3+s18], $0x8, s21, s18, $0xb8;
	[tilespmem:$0x12110] =	vst v63  }
0x88: {  	s1 =	sadd.s32 $0x1FFFF060, s8;
	_ =	swait.ge [sflag:s23], $0x3E80  }
0x89: {  	s0 =	sand.u32 $0x1FFFFFF0, s1;
	[sflag:s23] =	ssyncset.done $0x0  }
0x8a: {  	s0 =	sadd.s32 s6, s0;
	[sflag:s23] =	ssyncadd.s32 $0xFFFFC180  }
0x8b: {  	[hbm4b:s0+s2] =	stream.linear.scatter [tilespmem:s19], [sflag:$0x5], $0x3E80, $0x38;
	[tilespmem:$0x12110] =	vst v63  }
0x8c: {  	s0 =	sor.u32 $0x3, s14  }
0x8d: {  	s1 =	smul.u32 $0x3E8, s0  }
0x8e: {  	s8 =	simm.s32 @!p0 $0x8  }
0x8f: {  	s30 =	simm.s32 $0x0;
	_ =	swait.ge @!p0 [sflag:s8], $0x3E80;
	s1 =	sadd.s32 s4, s1  }
0x90: {  	v1 =	vmov s30;
	[sflag:s8] =	ssyncset.done @!p0 $0x0;
	s1 =	sshrl.u32 s1, $0x3  }
0x91: {  	v1 =	vshrl.u32 v1, $0x3;
	[sflag:s8] =	ssyncadd.s32 @!p0 $0xFFFFC180;
	s1 =	sadd.s32 s5, s1  }
0x92: {  	v1 =	vshll.u32 v1, $0x3;
	[tilespmem:s15], [sflag:$0x9] =	stream.linear.gather [hbm4b:s1+s30], $0x3E8, $0x38;
	[tilespmem:$0x12110] =	vst v63  }
0x93: {  	v1 =	vbroadcast v1, $0x0;
	_ =	swait.ge [sflag:s16], $0x3E8  }
0x94: {  	[sflag:s16] =	ssyncset.done $0x0  }
0x95: {  	v1 =	vor.u32 v0, v1;
	s1 =	sadd.s32 $0x186A0, s1;
	[sflag:s16] =	ssyncadd.s32 $0xFFFFFC18  }
0x96: {  	[tilespmem:s17], [sflag:$0x9] =	stream.linear.gather [hbm4b:s1+s30], $0x3E8, $0x38;
	[tilespmem:$0x12110] =	vst v63  }
0x97: {  	s8 =	simm.s32 $0x8;
	_ =	swait.ge [sflag:s16], $0x3E8  }
0x98: {  	v2 =	vmov s8;
	[sflag:s16] =	ssyncset.done $0x0  }
0x99: {  	v2 =	vshrl.u32 v2, $0x3;
	[sflag:s16] =	ssyncadd.s32 $0xFFFFFC18  }
0x9a: {  	v2 =	vshll.u32 v2, $0x3;
	v3 =	vld.idx.msk [tilespmem:v1+s17+$0x0], $0xffff  }
0x9b: {  	v4 =	vld.idx.msk [tilespmem:v1+s15+$0x0], $0xffff;
	v1 =	vbroadcast v2, $0x0;
	_ =	sdelay $0x1  }
0x9c: {  	v1 =	vor.u32 v0, v1;
	_ =	sdelay $0x2  }
0x9d: {  	s8 =	simm.s32 $0x10;
	s30 =	simm.s32 $0x1770;
	v2 =	vsel vm0, v4, v3  }
0x9e: {  	v3 =	vmov s8;
	[tilespmem:s30+$0x0] =	vst v2  }
0x9f: {  	s31 =	simm.s32 $0x18;
	s8 =	smul.u32 $0x7D0, s0;
	v3 =	vshrl.u32 v3, $0x3;
	v2 =	vld.idx.msk [tilespmem:v1+s17+$0x0], $0xffff  }
.LBB2_9:
0xa0: {  	p0 =	sne.s32 s31, $0x3E0;
	v3 =	vshll.u32 v3, $0x3;
	v4 =	vld.idx.msk [tilespmem:v1+s15+$0x0], $0xffff  }
0xa1: {  	v1 =	vbroadcast v3, $0x0;
	_ =	sdelay $0x1  }
0xa2: {  	v1 =	vor.u32 v0, v1  }
.Ltmp3:
0xa3: {  	(pc) =	sbr.rel @p0 .LBB2_9-.Ltmp3, $4  }
0xa4: {  	_ = 	snop  }
0xa5: {  	s30 =	sadd.s32 $0x10, s30;
	v2 =	vsel vm0, v4, v2  }
0xa6: {  	v3 =	vmov s31;
	[tilespmem:s30+$0x0] =	vst v2  }
0xa7: {  	s31 =	sadd.s32 $0x8, s31;
	v3 =	vshrl.u32 v3, $0x3;
	v2 =	vld.idx.msk [tilespmem:v1+s17+$0x0], $0xffff  }
0xa8: {  	_ =	sdelay $0x2  }
0xa9: {  	v3 =	vshll.u32 v3, $0x3  }
0xaa: {  	v1 =	vld.idx.msk [tilespmem:v1+s15+$0x0], $0xffff;
	v3 =	vbroadcast v3, $0x0;
	_ =	sdelay $0x1  }
0xab: {  	v3 =	vor.u32 v0, v3;
	_ =	sdelay $0x2  }
0xac: {  	s0 =	sadd.s32 $0x10, s30;
	v1 =	vsel vm0, v1, v2  }
0xad: {  	[tilespmem:s0+$0x0] =	vst v1  }
0xae: {  	v1 =	vld.idx.msk [tilespmem:v3+s17+$0x0], $0xffff  }
0xaf: {  	v2 =	vld.idx.msk [tilespmem:v3+s15+$0x0], $0xffff;
	_ =	sdelay $0x4  }
0xb0: {  	s0 =	sadd.s32 $0x10, s0;
	v1 =	vsel vm0, v2, v1  }
0xb1: {  	[tilespmem:s0+$0x0] =	vst v1  }
0xb2: {  	[tilespmem:s25], [sflag:$0x4] =	stream.indirect.gather [hbm4b:s3+s18], $0x8, s24, s18, $0xb8;
	[tilespmem:$0x12110] =	vst v63  }
0xb3: {  	s8 =	sadd.s32 s8, s10;
	s14 =	sadd.s32 $0x4, s14;
	_ =	swait.ge [sflag:s26], $0x3E80  }
0xb4: {  	s1 =	smul.u32 $0x3E8, s14;
	s0 =	sand.u32 $0x1FFFFFF0, s8;
	[sflag:s26] =	ssyncset.done $0x0  }
0xb5: {  	s8 =	simm.s32 $0x0;
	s0 =	sadd.s32 s6, s0;
	[sflag:s26] =	ssyncadd.s32 $0xFFFFC180  }
0xb6: {  	[hbm4b:s0+s8] =	stream.linear.scatter [tilespmem:s20], [sflag:$0x6], $0x3E80, $0x38;
	[tilespmem:$0x12110] =	vst v63  }
0xb7: {  	s31 =	sadd.s32 s4, s1;
	_ =	swait.ge [sflag:s28], $0x3E80  }
0xb8: {  	v1 =	vmov s8;
	s0 =	sshrl.u32 s31, $0x3;
	[sflag:s28] =	ssyncset.done $0x0  }
0xb9: {  	v1 =	vshrl.u32 v1, $0x3;
	s0 =	sadd.s32 s5, s0;
	[sflag:s28] =	ssyncadd.s32 $0xFFFFC180  }
0xba: {  	v1 =	vshll.u32 v1, $0x3;
	[tilespmem:s15], [sflag:$0x9] =	stream.linear.gather [hbm4b:s0+s8], $0x3E8, $0x38;
	[tilespmem:$0x12110] =	vst v63  }
0xbb: {  	v1 =	vbroadcast v1, $0x0;
	_ =	swait.ge [sflag:s16], $0x3E8  }
0xbc: {  	[sflag:s16] =	ssyncset.done $0x0  }
0xbd: {  	v1 =	vor.u32 v0, v1;
	s0 =	sadd.s32 $0x186A0, s0;
	[sflag:s16] =	ssyncadd.s32 $0xFFFFFC18  }
0xbe: {  	[tilespmem:s17], [sflag:$0x9] =	stream.linear.gather [hbm4b:s0+s8], $0x3E8, $0x38;
	[tilespmem:$0x12110] =	vst v63  }
0xbf: {  	s1 =	simm.s32 $0x8;
	_ =	swait.ge [sflag:s16], $0x3E8  }
0xc0: {  	v2 =	vmov s1;
	[sflag:s16] =	ssyncset.done $0x0  }
0xc1: {  	v2 =	vshrl.u32 v2, $0x3;
	[sflag:s16] =	ssyncadd.s32 $0xFFFFFC18  }
0xc2: {  	v2 =	vshll.u32 v2, $0x3;
	v3 =	vld.idx.msk [tilespmem:v1+s17+$0x0], $0xffff  }
0xc3: {  	v4 =	vld.idx.msk [tilespmem:v1+s15+$0x0], $0xffff;
	v1 =	vbroadcast v2, $0x0;
	_ =	sdelay $0x1  }
0xc4: {  	v1 =	vor.u32 v0, v1;
	_ =	sdelay $0x2  }
0xc5: {  	s31 =	simm.s32 $0x10;
	v2 =	vsel vm0, v4, v3  }
0xc6: {  	v3 =	vmov s31;
	[tilespmem:s8+$0x0] =	vst v2  }
0xc7: {  	s30 =	simm.s32 $0x18;
	v3 =	vshrl.u32 v3, $0x3;
	v2 =	vld.idx.msk [tilespmem:v1+s17+$0x0], $0xffff  }
.LBB2_11:
0xc8: {  	p0 =	sne.s32 s30, $0x3E0;
	v3 =	vshll.u32 v3, $0x3;
	v4 =	vld.idx.msk [tilespmem:v1+s15+$0x0], $0xffff  }
0xc9: {  	v1 =	vbroadcast v3, $0x0;
	_ =	sdelay $0x1  }
0xca: {  	v1 =	vor.u32 v0, v1  }
.Ltmp4:
0xcb: {  	(pc) =	sbr.rel @p0 .LBB2_11-.Ltmp4, $4  }
0xcc: {  	_ = 	snop  }
0xcd: {  	s8 =	sadd.s32 $0x10, s8;
	v2 =	vsel vm0, v4, v2  }
0xce: {  	v3 =	vmov s30;
	[tilespmem:s8+$0x0] =	vst v2  }
0xcf: {  	s30 =	sadd.s32 $0x8, s30;
	v3 =	vshrl.u32 v3, $0x3;
	v2 =	vld.idx.msk [tilespmem:v1+s17+$0x0], $0xffff  }
0xd0: {  	_ =	sdelay $0x2  }
0xd1: {  	v3 =	vshll.u32 v3, $0x3  }
0xd2: {  	v1 =	vld.idx.msk [tilespmem:v1+s15+$0x0], $0xffff;
	v3 =	vbroadcast v3, $0x0;
	_ =	sdelay $0x1  }
0xd3: {  	v3 =	vor.u32 v0, v3;
	_ =	sdelay $0x2  }
0xd4: {  	s0 =	sadd.s32 $0x10, s8;
	v1 =	vsel vm0, v1, v2  }
0xd5: {  	[tilespmem:s0+$0x0] =	vst v1  }
0xd6: {  	v1 =	vld.idx.msk [tilespmem:v3+s17+$0x0], $0xffff  }
0xd7: {  	v2 =	vld.idx.msk [tilespmem:v3+s15+$0x0], $0xffff;
	_ =	sdelay $0x4  }
0xd8: {  	s13 =	sadd.s32 $0x1, s13;
	s0 =	sadd.s32 $0x10, s0;
	v1 =	vsel vm0, v2, v1  }
0xd9: {  	s31 =	smul.u32 $0x7D0, s14;
	p0 =	sne.s32 s13, $0x6;
	[tilespmem:s0+$0x0] =	vst v1  }
0xda: {  	[tilespmem:s19], [sflag:$0x1] =	stream.indirect.gather [hbm4b:s3+s18], $0x8, s2, s18, $0xb8;
	[tilespmem:$0x12110] =	vst v63  }
.Ltmp5:
0xdb: {  	_ = 	snop;
	(pc) =	sbr.rel @p0 .LBB2_4-.Ltmp5, $4  }
0xdc: {  	s0 =	sadd.s32 s31, s10;
	_ =	swait.ge [sflag:s29], $0x3E80  }
0xdd: {  	s0 =	sand.u32 $0x1FFFFFF0, s0;
	[sflag:s29] =	ssyncset.done $0x0  }
0xde: {  	s0 =	sadd.s32 s6, s0;
	[sflag:s29] =	ssyncadd.s32 $0xFFFFC180  }
0xdf: {  	[hbm4b:s0+s2] =	stream.linear.scatter [tilespmem:s22], [sflag:$0x7], $0x3E80, $0x38;
	[tilespmem:$0x12110] =	vst v63  }
0xe0: {  	s0 =	simm.s32 $0x4  }
0xe1: {  	_ =	swait.ge [sflag:s0], $0x3E80  }
0xe2: {  	[sflag:s0] =	ssyncset.done $0x0  }
0xe3: {  	s8 =	rddreg [dreg:$0x4];
	[sflag:s0] =	ssyncadd.s32 $0xFFFFC180  }
0xe4: {  	[hbm4b:s8+s2] =	stream.linear.scatter [tilespmem:s25], [sflag:$0x8], $0x3E80, $0x38;
	[tilespmem:$0x12110] =	vst v63  }
0xe5: {  	_ =	swait.ge [sflag:s23], $0x3E80  }
0xe6: {  	[sflag:s23] =	ssyncset.done $0x0  }
0xe7: {  	s13 =	simm.s32 $0x6;
	s12 =	rddreg [dreg:$0x5];
	[sflag:s23] =	ssyncadd.s32 $0xFFFFC180  }
0xe8: {  	[hbm4b:s12+s2] =	stream.linear.scatter [tilespmem:s19], [sflag:$0x5], $0x3E80, $0x38;
	[tilespmem:$0x12110] =	vst v63  }
0xe9: {  	_ =	swait.ge [sflag:s13], $0x3E80  }
0xea: {  	[sflag:s13] =	ssyncset.done $0x0  }
0xeb: {  	s14 =	simm.s32 $0x7;
	[sflag:s13] =	ssyncadd.s32 $0xFFFFC180  }
0xec: {  	_ =	swait.ge [sflag:s14], $0x3E80  }
0xed: {  	[sflag:s14] =	ssyncset.done $0x0  }
0xee: {  	s30 =	simm.s32 $0x8;
	[sflag:s14] =	ssyncadd.s32 $0xFFFFC180  }
0xef: {  	_ =	swait.ge [sflag:s30], $0x3E80  }
0xf0: {  	[sflag:s30] =	ssyncset.done $0x0  }
0xf1: {  	[sflag:s30] =	ssyncadd.s32 $0xFFFFC180  }
0xf2: {  	_ =	swait.ge [sflag:s28], $0x3E80  }
0xf3: {  	s9 =	sadd.s32 $0x1, s9;
	s31 =	rddreg [dreg:$0x6]  }
0xf4: {  	p0 =	sne.s32 s9, s31  }
.Ltmp6:
0xf5: {  	_ = 	snop;
	(pc) =	sbr.rel @p0 .LBB2_1-.Ltmp6, $3  }
0xf6: {  	_ =	sdelay $0x1  }
0xf7: {  	[sflag:s28] =	ssyncset.done $0x0  }
0xf8: {  	[sflag:s28] =	ssyncadd.s32 $0xFFFFC180  }
0xf9: {  	_ =	sfence.sel $0x180000  }
0xfa: {  	[bflag:$0x0] =	sbarrier.arrive $0xFFFF  }
0xfb: {  	_ =	strace $0x90000047  }
0xfc: {  	s0 =	stileid.u32;
	[bflag:$0x2] =	sbarrier.arrive $0xFFFF  }
0xfd: {  	p0 =	sne.s32 s0, $0x0;
	s0 =	rddreg [dreg:$0x1]  }
0xfe: {  	s0 =	sadd.s32 @!p0 $0x100000, s0  }
0xff: {  	[sflag:s0] =	ssyncadd.tile.s32 @!p0 $0x1;
	_ =	shalt  }
.Lfunc_end2:
_tile_overlayer_lowered:
.L_overlay_start_2:
0x100: {  	(tag) =	ssettag $0x2  }
0x101: {  	s0 =	rddreg [dreg:$0x0];
	s2 =	stileid.u32  }
0x102: {  	s1 =	rddreg [dreg:$0x1];
	p0 =	sne.s32 s2, $0x0  }
0x103: {  	s3 =	rddreg [dreg:$0x2];
	[bflag:$0x3] =	sbarrier.arrive $0xFFFF;
	s2 =	simm.s32 @!p0 $0x1C09  }
0x104: {  	[timem:s3], [sflag:s2] =	dma.local @!p0 [hbm:s0], s1  }
0x105: {  	s0 =	simm.s32 @!p0 $0x9  }
0x106: {  	_ =	swait.ge @!p0 [sflag:s0], s1  }
0x107: {  	s1 =	ssub.s32 @!p0 $0x0, s1;
	[sflag:s0] =	ssyncset.done @!p0 $0x0  }
0x108: {  	[sflag:s0] =	ssyncadd.s32 @!p0 s1  }
0x109: {  	[bflag:$0x3] =	sbarrier.arrive $0xFFFF  }
0x10a: {  	_ =	shalt  }

</sc_bundles>
